<compile_context>
chip_gen: v7x
topology: tpu7x:2x2x1
jax: 0.10.2.dev20260603
libtpu: 0.0.44.dev20260713+nightly
codegen_flags: <defaults>
</compile_context>

<pallas_src>
import functools

import jax
import jax.numpy as jnp
from jax import lax
from jax.experimental import pallas as pl
from jax.experimental.pallas import tpu as pltpu
from jax.experimental.pallas import tpu_sc as plsc

B, N, K = 8, 2048, 16
OUT_DIM = 128
HID = 64

NC, NS = 2, 16
NW = NC * NS
P_TOTAL = B * N * K
ROWS_PER_W = P_TOTAL // NW
CHUNK = 128
NCHUNK = ROWS_PER_W // CHUNK
TBL_D = 256


def _silu(x):
    return x * (1.0 / (1.0 + jnp.exp(-x)))



_RA = 512


def _knn_body(xr_ref, xa_ref, idx_ref):
    b = pl.program_id(0)
    xr = xr_ref[0]
    xa = xa_ref[0]
    sqr = jnp.sum(xr * xr, axis=1, keepdims=True)
    sqa = jnp.sum(xa * xa, axis=1, keepdims=True)
    d = -2.0 * lax.dot_general(xr, xa, (((1,), (1,)), ((), ())),
                               preferred_element_type=jnp.float32)
    d = d + sqr + sqa.T
    iota = lax.broadcasted_iota(jnp.int32, (_RA, N), 1)
    for k in range(K):
        am = jnp.argmin(d, axis=1).astype(jnp.int32)
        idx_ref[0, :, k] = am + b * N
        d = jnp.where(iota == am[:, None], jnp.float32(jnp.inf), d)


def _knn(xyz):
    return pl.pallas_call(
        _knn_body,
        grid=(B, N // _RA),
        in_specs=[
            pl.BlockSpec((1, _RA, 3), lambda b, i: (b, i, 0)),
            pl.BlockSpec((1, N, 3), lambda b, i: (b, 0, 0)),
        ],
        out_specs=pl.BlockSpec((1, _RA, K), lambda b, i: (b, i, 0)),
        out_shape=jax.ShapeDtypeStruct((B, N, K), jnp.int32),
    )(xyz, xyz)



_RB = 1024


def _table_body(f_ref, x_ref, wft_ref, bft_ref, g_ref, b_ref, wl_ref,
                w1_ref, out_ref):
    f = f_ref[...]
    t = lax.dot_general(f, wft_ref[...], (((1,), (1,)), ((), ())),
                        preferred_element_type=jnp.float32) + bft_ref[...]
    m = jnp.mean(t, axis=1, keepdims=True)
    v = jnp.mean((t - m) * (t - m), axis=1, keepdims=True)
    t = (t - m) * lax.rsqrt(v + 1e-5) * g_ref[...] + b_ref[...]
    t = _silu(t)
    g1 = lax.dot_general(t, wl_ref[...], (((1,), (1,)), ((), ())),
                         preferred_element_type=jnp.float32)
    wx = lax.dot_general(x_ref[...], w1_ref[...], (((1,), (1,)), ((), ())),
                         preferred_element_type=jnp.float32)
    pad = jnp.zeros((_RB, TBL_D - OUT_DIM - HID), jnp.float32)
    out_ref[...] = jnp.concatenate([g1, wx, pad], axis=1)


def _table(feat2, xyz2, W_ft, b_ft, ln_g, ln_b, Wl, conv1_w):
    return pl.pallas_call(
        _table_body,
        grid=(B * N // _RB,),
        in_specs=[
            pl.BlockSpec((_RB, 128), lambda i: (i, 0)),
            pl.BlockSpec((_RB, 3), lambda i: (i, 0)),
            pl.BlockSpec((128, 128), lambda i: (0, 0)),
            pl.BlockSpec((1, 128), lambda i: (0, 0)),
            pl.BlockSpec((1, 128), lambda i: (0, 0)),
            pl.BlockSpec((1, 128), lambda i: (0, 0)),
            pl.BlockSpec((128, 128), lambda i: (0, 0)),
            pl.BlockSpec((HID, 3), lambda i: (0, 0)),
        ],
        out_specs=pl.BlockSpec((_RB, TBL_D), lambda i: (i, 0)),
        out_shape=jax.ShapeDtypeStruct((B * N, TBL_D), jnp.float32),
    )(feat2, xyz2, W_ft, b_ft, ln_g, ln_b, Wl, conv1_w)



def _sc_gather(table, idxm):
    mesh = plsc.VectorSubcoreMesh(core_axis_name="c", subcore_axis_name="s")

    @functools.partial(
        pl.kernel, mesh=mesh,
        out_type=jax.ShapeDtypeStruct((P_TOTAL, TBL_D), jnp.float32),
        scratch_types=[
            pltpu.VMEM((NCHUNK, CHUNK), jnp.int32),
            pltpu.VMEM((CHUNK, TBL_D), jnp.float32),
            pltpu.VMEM((CHUNK, TBL_D), jnp.float32),
            pltpu.SemaphoreType.DMA,
            pltpu.SemaphoreType.DMA,
            pltpu.SemaphoreType.DMA,
            pltpu.SemaphoreType.DMA,
        ],
    )
    def k(table_hbm, idx_hbm, out_hbm, idx_v, r0, r1, sg0, sg1, ss0, ss1):
        wid = lax.axis_index("s") * NC + lax.axis_index("c")
        pltpu.sync_copy(idx_hbm.at[wid], idx_v)
        base = wid * ROWS_PER_W

        def body(i, carry):
            c0 = 2 * i
            c1 = c0 + 1
            h0 = pltpu.async_copy(table_hbm.at[idx_v.at[c0]], r0, sg0)
            h1 = pltpu.async_copy(table_hbm.at[idx_v.at[c1]], r1, sg1)
            h0.wait()
            s0 = pltpu.async_copy(r0, out_hbm.at[pl.ds(base + c0 * CHUNK, CHUNK)], ss0)
            h1.wait()
            s1 = pltpu.async_copy(r1, out_hbm.at[pl.ds(base + c1 * CHUNK, CHUNK)], ss1)
            s0.wait()
            s1.wait()
            return carry

        lax.fori_loop(0, NCHUNK // 2, body, 0)

    return k(table, idxm)



_RC = 4096
_RCP = _RC // K


def _mom_body(y_ref, t_ref, out_ref):
    g3 = y_ref[...].reshape(_RCP, K, OUT_DIM)[:, :, :HID]
    h = g3 - t_ref[...][:, None, :HID]
    h2 = h.reshape(_RC, HID)
    s1 = jnp.sum(h2, axis=0, keepdims=True)
    s2 = jnp.sum(h2 * h2, axis=0, keepdims=True)

    @pl.when(pl.program_id(0) == 0)
    def _():
        out_ref[...] = jnp.zeros((2, HID), jnp.float32)

    out_ref[0:1, :] += s1
    out_ref[1:2, :] += s2


def _moments(gathered, table):
    return pl.pallas_call(
        _mom_body,
        grid=(P_TOTAL // _RC,),
        in_specs=[
            pl.BlockSpec((_RC, OUT_DIM), lambda i: (i, 1)),
            pl.BlockSpec((_RCP, OUT_DIM), lambda i: (i, 1)),
        ],
        out_specs=pl.BlockSpec((2, HID), lambda i: (0, 0)),
        out_shape=jax.ShapeDtypeStruct((2, HID), jnp.float32),
    )(gathered, table)



_PC = 4096
_PTS = _PC // K


def _fuse_body(y1_ref, yw_ref, t_ref, st_ref, mm_ref, c2_ref,
               lg_ref, lb_ref, ab_ref, out_ref):
    g1 = y1_ref[...].reshape(_PTS, K, OUT_DIM)
    wxn = yw_ref[...].reshape(_PTS, K, OUT_DIM)[:, :, :HID]
    h = wxn - t_ref[...][:, None, :HID]
    st = st_ref[...]
    h = h * st[0:1, None, :] + st[1:2, None, :]
    h = _silu(h)
    z = lax.dot_general(h, mm_ref[...], (((2,), (1,)), ((), ())),
                        preferred_element_type=jnp.float32)
    z = z + g1 + c2_ref[...][None, 0:1, :]
    m = jnp.mean(z, axis=2, keepdims=True)
    v = jnp.mean((z - m) * (z - m), axis=2, keepdims=True)
    lg = lg_ref[...][None, 0:1, :]
    lb = lb_ref[...][None, 0:1, :]
    z = (z - m) * lax.rsqrt(v + 1e-5) * lg + lb
    fused = _silu(z)
    ab = ab_ref[...]
    fused = ab[None, 0:1, :] * fused + ab[None, 1:2, :]
    logits = jnp.sum(fused, axis=2)
    logits = logits - jnp.max(logits, axis=1, keepdims=True)
    e = jnp.exp(logits)
    w = e / jnp.sum(e, axis=1, keepdims=True)
    out_ref[...] = jnp.sum(w[:, :, None] * fused, axis=1)


def _fuse(gathered, table, st, M, c2, lg, lb, ab):
    return pl.pallas_call(
        _fuse_body,
        grid=(P_TOTAL // _PC,),
        in_specs=[
            pl.BlockSpec((_PC, OUT_DIM), lambda i: (i, 0)),
            pl.BlockSpec((_PC, OUT_DIM), lambda i: (i, 1)),
            pl.BlockSpec((_PTS, OUT_DIM), lambda i: (i, 1)),
            pl.BlockSpec((2, HID), lambda i: (0, 0)),
            pl.BlockSpec((128, HID), lambda i: (0, 0)),
            pl.BlockSpec((1, 128), lambda i: (0, 0)),
            pl.BlockSpec((1, 128), lambda i: (0, 0)),
            pl.BlockSpec((1, 128), lambda i: (0, 0)),
            pl.BlockSpec((2, 128), lambda i: (0, 0)),
        ],
        out_specs=pl.BlockSpec((_PTS, OUT_DIM), lambda i: (i, 0)),
        out_shape=jax.ShapeDtypeStruct((B * N, OUT_DIM), jnp.float32),
    )(gathered, gathered, table, st, M, c2, lg, lb, ab)



def kernel(xyz, features, W_ft, b_ft, ln_ft_g, ln_ft_b, conv1_w, conv1_b,
           bn_g, bn_b, conv2_w, conv2_b, W_fu, b_fu, ln_fu_g, ln_fu_b,
           alpha, beta):
    Wl = W_fu[:, :OUT_DIM]
    Wr = W_fu[:, OUT_DIM:]
    M = Wr @ conv2_w
    c2 = (Wr @ conv2_b + b_fu)[None, :]

    idx = _knn(xyz)
    idxm = idx.reshape(NW, NCHUNK, CHUNK)

    table = _table(features.reshape(B * N, 128), xyz.reshape(B * N, 3),
                   W_ft, b_ft[None, :], ln_ft_g[None, :], ln_ft_b[None, :],
                   Wl, conv1_w)

    gathered = _sc_gather(table, idxm)

    S = _moments(gathered, table)
    cnt = jnp.float32(P_TOTAL)
    mean_r = S[0] / cnt
    var_h = S[1] / cnt - mean_r * mean_r
    mean_h = mean_r + conv1_b
    s = bn_g * lax.rsqrt(var_h + 1e-5)
    t = bn_b + (conv1_b - mean_h) * s
    st = jnp.stack([s, t], axis=0)

    ab = jnp.concatenate([alpha.reshape(1, 128), beta.reshape(1, 128)], axis=0)

    out = _fuse(gathered, table, st, M, c2,
                ln_fu_g[None, :], ln_fu_b[None, :], ab)
    return out.reshape(B, N, OUT_DIM)

# --- scband reference (transcript-rebuilt; emitter-appended) ---
"""Pipeline reference for scband-local-geometry-aggregation-3006477107872 (READ-ONLY COPY).

The authoritative reference and input builder live on the scoring server;
editing this copy changes nothing except your own understanding.
"""

import jax, jax.numpy as jnp
import numpy as np

B, N, K = 8, 2048, 16
IN_DIM, OUT_DIM = 128, 128
HID = OUT_DIM // 2


def _silu(x):
    return x * jax.nn.sigmoid(x)


def _layernorm(x, g, b):
    m = x.mean(axis=-1, keepdims=True)
    v = ((x - m) ** 2).mean(axis=-1, keepdims=True)
    return (x - m) / jnp.sqrt(v + 1e-5) * g + b


def setup_inputs(seed: int = 0) -> dict:
    key = jax.random.key(seed)
    ks = jax.random.split(key, 8)
    inp = {}
    inp["xyz"] = jax.random.normal(ks[0], (B, N, 3), dtype=jnp.float32)
    inp["features"] = jax.random.normal(ks[1], (B, N, IN_DIM), dtype=jnp.float32)
    # feature_transform: Linear(in_dim, out_dim) + LayerNorm(out_dim)
    inp["W_ft"] = jax.random.normal(ks[2], (OUT_DIM, IN_DIM), dtype=jnp.float32) * 0.02
    inp["b_ft"] = jnp.zeros((OUT_DIM,), dtype=jnp.float32)
    inp["ln_ft_g"] = jnp.ones((OUT_DIM,), dtype=jnp.float32)
    inp["ln_ft_b"] = jnp.zeros((OUT_DIM,), dtype=jnp.float32)
    # geo_encoder: Conv1d(3, out_dim//2, 1) + BatchNorm1d + Conv1d(out_dim//2, out_dim, 1)
    inp["conv1_w"] = jax.random.normal(ks[3], (HID, 3), dtype=jnp.float32) * 0.02
    inp["conv1_b"] = jnp.zeros((HID,), dtype=jnp.float32)
    inp["bn_g"] = jnp.ones((HID,), dtype=jnp.float32)
    inp["bn_b"] = jnp.zeros((HID,), dtype=jnp.float32)
    inp["conv2_w"] = jax.random.normal(ks[4], (OUT_DIM, HID), dtype=jnp.float32) * 0.02
    inp["conv2_b"] = jnp.zeros((OUT_DIM,), dtype=jnp.float32)
    # fusion: Linear(2*out_dim, out_dim) + LayerNorm(out_dim)
    inp["W_fu"] = jax.random.normal(ks[5], (OUT_DIM, 2 * OUT_DIM), dtype=jnp.float32) * 0.02
    inp["b_fu"] = jnp.zeros((OUT_DIM,), dtype=jnp.float32)
    inp["ln_fu_g"] = jnp.ones((OUT_DIM,), dtype=jnp.float32)
    inp["ln_fu_b"] = jnp.zeros((OUT_DIM,), dtype=jnp.float32)
    inp["alpha"] = jnp.ones((1, 1, OUT_DIM), dtype=jnp.float32)
    inp["beta"] = jnp.zeros((1, 1, OUT_DIM), dtype=jnp.float32)
    return inp


def reference(xyz, features, W_ft, b_ft, ln_ft_g, ln_ft_b, conv1_w, conv1_b, bn_g, bn_b, conv2_w, conv2_b, W_fu, b_fu, ln_fu_g, ln_fu_b, alpha, beta):
    # knn_point: pairwise squared distances + topk smallest
    sq = jnp.sum(xyz ** 2, axis=-1)
    sqrdists = -2.0 * jnp.einsum("bnc,bmc->bnm", xyz, xyz) + sq[:, :, None] + sq[:, None, :]
    _, knn_idx = jax.lax.top_k(-sqrdists, K)  # [B, N, K], smallest distances
    gather = jax.vmap(lambda p, i: p[i])
    neighbor_xyz = gather(xyz, knn_idx)        # [B, N, K, 3]
    neighbor_feat = gather(features, knn_idx)  # [B, N, K, IN_DIM]
    relative_pos = neighbor_xyz - xyz[:, :, None, :]  # [B, N, K, 3]
    # geo_encoder on [B, 3, N*K]
    x = relative_pos.transpose(0, 3, 1, 2).reshape(B, 3, N * K)
    h = jnp.einsum("oi,bip->bop", conv1_w, x) + conv1_b[None, :, None]
    mean = h.mean(axis=(0, 2), keepdims=True)
    var = h.var(axis=(0, 2), keepdims=True)
    h = (h - mean) / jnp.sqrt(var + 1e-5) * bn_g[None, :, None] + bn_b[None, :, None]
    h = _silu(h)
    geo = jnp.einsum("oi,bip->bop", conv2_w, h) + conv2_b[None, :, None]
    geo = geo.reshape(B, OUT_DIM, N, K).transpose(0, 2, 3, 1)  # [B, N, K, OUT_DIM]
    # feature_transform
    tf = _silu(_layernorm(neighbor_feat @ W_ft.T + b_ft, ln_ft_g, ln_ft_b))
    # fusion
    comb = jnp.concatenate([tf, geo], axis=-1)
    fused = _silu(_layernorm(comb @ W_fu.T + b_fu, ln_fu_g, ln_fu_b))
    fused = alpha * fused + beta
    w = jax.nn.softmax(fused.sum(axis=-1), axis=-1)  # [B, N, K]
    aggregated = (w[..., None] * fused).sum(axis=2)  # [B, N, OUT_DIM]
    return aggregated

if __name__ == "__main__":
    import jax
    _d = setup_inputs()
    print(jax.jit(kernel)(*tuple(_d.values())))

</pallas_src>

<mosaic_0001>
#map = affine_map<(d0, d1) -> (0, 0)>
#map1 = affine_map<(d0, d1) -> (0, 0, 0)>
module attributes {stable_mosaic.version = 14 : i64} {
  func.func @k(%arg0: i32, %arg1: i32, %arg2: memref<16384x256xf32, #tpu.memory_space<hbm>>, %arg3: memref<32x64x128xi32, #tpu.memory_space<hbm>>, %arg4: memref<262144x256xf32, #tpu.memory_space<hbm>>, %arg5: memref<64x128xi32, #tpu.memory_space<vmem>>, %arg6: memref<128x256xf32, #tpu.memory_space<vmem>>, %arg7: memref<128x256xf32, #tpu.memory_space<vmem>>, %arg8: memref<!tpu.dma_semaphore, #tpu.memory_space<semaphore_mem>>, %arg9: memref<!tpu.dma_semaphore, #tpu.memory_space<semaphore_mem>>, %arg10: memref<!tpu.dma_semaphore, #tpu.memory_space<semaphore_mem>>, %arg11: memref<!tpu.dma_semaphore, #tpu.memory_space<semaphore_mem>>) attributes {dimension_semantics = [#tpu.dimension_semantics<core_parallel>, #tpu.dimension_semantics<subcore_parallel>], iteration_bounds = array<i64: 2, 16>, scalar_prefetch = 0 : i64, scratch_operands = 7 : i64, tpu.core_type = #tpu.core_type<sc_vector_subcore>, window_params = [{transform_indices = #map}, {transform_indices = #map1}, {transform_indices = #map}]} {
    %mul3A = arith.constant 2 : i32
    %mul3A_0 = arith.muli %arg1, %mul3A : i32
    %add3A = arith.addi %mul3A_0, %arg0 : i32
    "tpu.region"() ({
      %run_scoped3A = tpu.sem_alloc : memref<!tpu.dma_semaphore, #tpu.memory_space<semaphore_mem>>
      %dma_start3A = arith.constant 0 : i32
      %dma_start3A_8 = arith.constant 0 : i32
      %dma_start3A_9 = tpu.memref_slice %arg3[%add3A, %dma_start3A, %dma_start3A_8] : memref<32x64x128xi32, #tpu.memory_space<hbm>> -> memref<1x64x128xi32, #tpu.memory_space<hbm>>
      %dma_start3A_10 = tpu.memref_squeeze %dma_start3A_9 : memref<1x64x128xi32, #tpu.memory_space<hbm>> -> memref<64x128xi32, #tpu.memory_space<hbm>>
      %dma_start3A_11 = arith.constant 0 : i32
      %dma_start3A_12 = arith.constant 0 : i32
      %dma_start3A_13 = tpu.memref_slice %arg3[%add3A, %dma_start3A_11, %dma_start3A_12] : memref<32x64x128xi32, #tpu.memory_space<hbm>> -> memref<1x64x128xi32, #tpu.memory_space<hbm>>
      %dma_start3A_14 = tpu.memref_squeeze %dma_start3A_13 : memref<1x64x128xi32, #tpu.memory_space<hbm>> -> memref<64x128xi32, #tpu.memory_space<hbm>>
      tpu.enqueue_dma source(%dma_start3A_14 : memref<64x128xi32, #tpu.memory_space<hbm>>) target(%arg5 : memref<64x128xi32, #tpu.memory_space<vmem>>) target_semaphore(%run_scoped3A : memref<!tpu.dma_semaphore, #tpu.memory_space<semaphore_mem>>)
      %dma_wait3A = arith.constant 0 : i32
      %dma_wait3A_15 = arith.constant 0 : i32
      %dma_wait3A_16 = tpu.memref_slice %arg3[%add3A, %dma_wait3A, %dma_wait3A_15] : memref<32x64x128xi32, #tpu.memory_space<hbm>> -> memref<1x64x128xi32, #tpu.memory_space<hbm>>
      %dma_wait3A_17 = tpu.memref_squeeze %dma_wait3A_16 : memref<1x64x128xi32, #tpu.memory_space<hbm>> -> memref<64x128xi32, #tpu.memory_space<hbm>>
      %dma_wait3A_18 = arith.constant 0 : i32
      %dma_wait3A_19 = arith.constant 0 : i32
      %dma_wait3A_20 = tpu.memref_slice %arg3[%add3A, %dma_wait3A_18, %dma_wait3A_19] : memref<32x64x128xi32, #tpu.memory_space<hbm>> -> memref<1x64x128xi32, #tpu.memory_space<hbm>>
      %dma_wait3A_21 = tpu.memref_squeeze %dma_wait3A_20 : memref<1x64x128xi32, #tpu.memory_space<hbm>> -> memref<64x128xi32, #tpu.memory_space<hbm>>
      tpu.wait_dma2 semaphore(%run_scoped3A : memref<!tpu.dma_semaphore, #tpu.memory_space<semaphore_mem>>) src(%dma_wait3A_21 : memref<64x128xi32, #tpu.memory_space<hbm>>) dst(%arg5 : memref<64x128xi32, #tpu.memory_space<vmem>>)
      tpu.yield
    }) : () -> ()
    %mul3A_1 = arith.constant 8192 : i32
    %mul3A_2 = arith.muli %add3A, %mul3A_1 : i32
    %scan3A = arith.constant 0 : i32
    %scan3A_3 = arith.constant 0 : i32
    %scan3A_4 = arith.constant 32 : i32
    %scan3A_5 = arith.addi %scan3A_3, %scan3A_4 : i32
    %scan3A_6 = arith.constant 1 : i32
    scf.for %scan3A_8 = %scan3A_3 to %scan3A_5 step %scan3A_6  : i32 {
      %mul3A_9 = arith.constant 2 : i32
      %mul3A_10 = arith.muli %mul3A_9, %scan3A_8 : i32
      %add3A_11 = arith.constant 1 : i32
      %add3A_12 = arith.addi %mul3A_10, %add3A_11 : i32
      %dma_start3A = arith.constant 0 : i32
      %dma_start3A_13 = tpu.memref_slice %arg5[%mul3A_10, %dma_start3A] : memref<64x128xi32, #tpu.memory_space<vmem>> -> memref<1x128xi32, #tpu.memory_space<vmem>>
      %dma_start3A_14 = tpu.memref_squeeze %dma_start3A_13 : memref<1x128xi32, #tpu.memory_space<vmem>> -> memref<128xi32, #tpu.memory_space<vmem>>
      %dma_start3A_15 = arith.constant 0 : i32
      %dma_start3A_16 = arith.constant 0 : i32
      %dma_start3A_17 = tpu.memref_slice %arg2[%dma_start3A_15, %dma_start3A_16] : memref<16384x256xf32, #tpu.memory_space<hbm>> -> memref<16384x256xf32, #tpu.memory_space<hbm>>
      tpu.enqueue_indirect_dma source(%dma_start3A_17 : memref<16384x256xf32, #tpu.memory_space<hbm>>) target(%arg6 : memref<128x256xf32, #tpu.memory_space<vmem>>) offsets(%dma_start3A_14 : memref<128xi32, #tpu.memory_space<vmem>>) semaphore(%arg8 : memref<!tpu.dma_semaphore, #tpu.memory_space<semaphore_mem>>)
      %dma_start3A_18 = arith.constant 0 : i32
      %dma_start3A_19 = tpu.memref_slice %arg5[%add3A_12, %dma_start3A_18] : memref<64x128xi32, #tpu.memory_space<vmem>> -> memref<1x128xi32, #tpu.memory_space<vmem>>
      %dma_start3A_20 = tpu.memref_squeeze %dma_start3A_19 : memref<1x128xi32, #tpu.memory_space<vmem>> -> memref<128xi32, #tpu.memory_space<vmem>>
      %dma_start3A_21 = arith.constant 0 : i32
      %dma_start3A_22 = arith.constant 0 : i32
      %dma_start3A_23 = tpu.memref_slice %arg2[%dma_start3A_21, %dma_start3A_22] : memref<16384x256xf32, #tpu.memory_space<hbm>> -> memref<16384x256xf32, #tpu.memory_space<hbm>>
      tpu.enqueue_indirect_dma source(%dma_start3A_23 : memref<16384x256xf32, #tpu.memory_space<hbm>>) target(%arg7 : memref<128x256xf32, #tpu.memory_space<vmem>>) offsets(%dma_start3A_20 : memref<128xi32, #tpu.memory_space<vmem>>) semaphore(%arg9 : memref<!tpu.dma_semaphore, #tpu.memory_space<semaphore_mem>>)
      %dma_wait3A = arith.constant 0 : i32
      %dma_wait3A_24 = tpu.memref_slice %arg5[%mul3A_10, %dma_wait3A] : memref<64x128xi32, #tpu.memory_space<vmem>> -> memref<1x128xi32, #tpu.memory_space<vmem>>
      %dma_wait3A_25 = tpu.memref_squeeze %dma_wait3A_24 : memref<1x128xi32, #tpu.memory_space<vmem>> -> memref<128xi32, #tpu.memory_space<vmem>>
      %dma_wait3A_26 = arith.constant 0 : i32
      %dma_wait3A_27 = arith.constant 0 : i32
      %dma_wait3A_28 = tpu.memref_slice %arg2[%dma_wait3A_26, %dma_wait3A_27] : memref<16384x256xf32, #tpu.memory_space<hbm>> -> memref<16384x256xf32, #tpu.memory_space<hbm>>
      tpu.wait_indirect_dma semaphore(%arg8 : memref<!tpu.dma_semaphore, #tpu.memory_space<semaphore_mem>>) src(%dma_wait3A_28 : memref<16384x256xf32, #tpu.memory_space<hbm>>) dst(%arg6 : memref<128x256xf32, #tpu.memory_space<vmem>>)
      %mul3A_29 = arith.constant 128 : i32
      %mul3A_30 = arith.muli %mul3A_10, %mul3A_29 : i32
      %add3A_31 = arith.addi %mul3A_2, %mul3A_30 : i32
      %dma_start3A_32 = arith.constant 0 : i32
      %dma_start3A_33 = tpu.memref_slice %arg4[%add3A_31, %dma_start3A_32] : memref<262144x256xf32, #tpu.memory_space<hbm>> -> memref<128x256xf32, #tpu.memory_space<hbm>>
      %dma_start3A_34 = arith.constant 0 : i32
      %dma_start3A_35 = tpu.memref_slice %arg4[%add3A_31, %dma_start3A_34] : memref<262144x256xf32, #tpu.memory_space<hbm>> -> memref<128x256xf32, #tpu.memory_space<hbm>>
      tpu.enqueue_dma source(%arg6 : memref<128x256xf32, #tpu.memory_space<vmem>>) target(%dma_start3A_35 : memref<128x256xf32, #tpu.memory_space<hbm>>) target_semaphore(%arg10 : memref<!tpu.dma_semaphore, #tpu.memory_space<semaphore_mem>>)
      %dma_wait3A_36 = arith.constant 0 : i32
      %dma_wait3A_37 = tpu.memref_slice %arg5[%add3A_12, %dma_wait3A_36] : memref<64x128xi32, #tpu.memory_space<vmem>> -> memref<1x128xi32, #tpu.memory_space<vmem>>
      %dma_wait3A_38 = tpu.memref_squeeze %dma_wait3A_37 : memref<1x128xi32, #tpu.memory_space<vmem>> -> memref<128xi32, #tpu.memory_space<vmem>>
      %dma_wait3A_39 = arith.constant 0 : i32
      %dma_wait3A_40 = arith.constant 0 : i32
      %dma_wait3A_41 = tpu.memref_slice %arg2[%dma_wait3A_39, %dma_wait3A_40] : memref<16384x256xf32, #tpu.memory_space<hbm>> -> memref<16384x256xf32, #tpu.memory_space<hbm>>
      tpu.wait_indirect_dma semaphore(%arg9 : memref<!tpu.dma_semaphore, #tpu.memory_space<semaphore_mem>>) src(%dma_wait3A_41 : memref<16384x256xf32, #tpu.memory_space<hbm>>) dst(%arg7 : memref<128x256xf32, #tpu.memory_space<vmem>>)
      %mul3A_42 = arith.constant 128 : i32
      %mul3A_43 = arith.muli %add3A_12, %mul3A_42 : i32
      %add3A_44 = arith.addi %mul3A_2, %mul3A_43 : i32
      %dma_start3A_45 = arith.constant 0 : i32
      %dma_start3A_46 = tpu.memref_slice %arg4[%add3A_44, %dma_start3A_45] : memref<262144x256xf32, #tpu.memory_space<hbm>> -> memref<128x256xf32, #tpu.memory_space<hbm>>
      %dma_start3A_47 = arith.constant 0 : i32
      %dma_start3A_48 = tpu.memref_slice %arg4[%add3A_44, %dma_start3A_47] : memref<262144x256xf32, #tpu.memory_space<hbm>> -> memref<128x256xf32, #tpu.memory_space<hbm>>
      tpu.enqueue_dma source(%arg7 : memref<128x256xf32, #tpu.memory_space<vmem>>) target(%dma_start3A_48 : memref<128x256xf32, #tpu.memory_space<hbm>>) target_semaphore(%arg11 : memref<!tpu.dma_semaphore, #tpu.memory_space<semaphore_mem>>)
      %dma_wait3A_49 = arith.constant 0 : i32
      %dma_wait3A_50 = tpu.memref_slice %arg4[%add3A_31, %dma_wait3A_49] : memref<262144x256xf32, #tpu.memory_space<hbm>> -> memref<128x256xf32, #tpu.memory_space<hbm>>
      %dma_wait3A_51 = arith.constant 0 : i32
      %dma_wait3A_52 = tpu.memref_slice %arg4[%add3A_31, %dma_wait3A_51] : memref<262144x256xf32, #tpu.memory_space<hbm>> -> memref<128x256xf32, #tpu.memory_space<hbm>>
      tpu.wait_dma2 semaphore(%arg10 : memref<!tpu.dma_semaphore, #tpu.memory_space<semaphore_mem>>) src(%arg6 : memref<128x256xf32, #tpu.memory_space<vmem>>) dst(%dma_wait3A_52 : memref<128x256xf32, #tpu.memory_space<hbm>>)
      %dma_wait3A_53 = arith.constant 0 : i32
      %dma_wait3A_54 = tpu.memref_slice %arg4[%add3A_44, %dma_wait3A_53] : memref<262144x256xf32, #tpu.memory_space<hbm>> -> memref<128x256xf32, #tpu.memory_space<hbm>>
      %dma_wait3A_55 = arith.constant 0 : i32
      %dma_wait3A_56 = tpu.memref_slice %arg4[%add3A_44, %dma_wait3A_55] : memref<262144x256xf32, #tpu.memory_space<hbm>> -> memref<128x256xf32, #tpu.memory_space<hbm>>
      tpu.wait_dma2 semaphore(%arg11 : memref<!tpu.dma_semaphore, #tpu.memory_space<semaphore_mem>>) src(%arg7 : memref<128x256xf32, #tpu.memory_space<vmem>>) dst(%dma_wait3A_56 : memref<128x256xf32, #tpu.memory_space<hbm>>)
    }
    %scan3A_7 = arith.constant 32 : i32
    return
  }
}

module attributes {stable_mosaic.version = 14 : i64} {
  func.func @_knn_body(%arg0: i32, %arg1: i32, %arg2: memref<1x512x3xf32, #tpu.memory_space<vmem>>, %arg3: memref<1x2048x3xf32, #tpu.memory_space<vmem>>, %arg4: memref<1x512x16xi32, #tpu.memory_space<vmem>>) attributes {dimension_semantics = [#tpu.dimension_semantics<arbitrary>, #tpu.dimension_semantics<arbitrary>], iteration_bounds = array<i64: 8, 4>, scalar_prefetch = 0 : i64, scratch_operands = 0 : i64, tpu.core_type = #tpu.core_type<tc>, window_params = [{transform_indices = @transform_0, window_bounds = array<i64: 1, 512, 3>}, {transform_indices = @transform_1, window_bounds = array<i64: 1, 2048, 3>}, {transform_indices = @transform_2, window_bounds = array<i64: 1, 512, 16>}]} {
    %get3A = arith.constant 0 : index
    %get3A_0 = arith.constant 0 : index
    %get3A_1 = arith.constant 0 : index
    %get3A_2 = vector.load %arg2[%get3A, %get3A_0, %get3A_1] : memref<1x512x3xf32, #tpu.memory_space<vmem>>, vector<1x512x3xf32>
    %get3A_3 = vector.shape_cast %get3A_2 : vector<1x512x3xf32> to vector<512x3xf32>
    %get3A_4 = arith.constant 0 : index
    %get3A_5 = arith.constant 0 : index
    %get3A_6 = arith.constant 0 : index
    %get3A_7 = vector.load %arg3[%get3A_4, %get3A_5, %get3A_6] : memref<1x2048x3xf32, #tpu.memory_space<vmem>>, vector<1x2048x3xf32>
    %get3A_8 = vector.shape_cast %get3A_7 : vector<1x2048x3xf32> to vector<2048x3xf32>
    %mul3A = arith.mulf %get3A_3, %get3A_3 : vector<512x3xf32>
    %reduce_sum3A = arith.constant dense<0.000000e+00> : vector<512xf32>
    %reduce_sum3A_9 = vector.multi_reduction <add>, %mul3A, %reduce_sum3A [1] : vector<512x3xf32> to vector<512xf32>
    %broadcast_in_dim3A = vector.shape_cast %reduce_sum3A_9 : vector<512xf32> to vector<512x1xf32>
    %mul3A_10 = arith.mulf %get3A_8, %get3A_8 : vector<2048x3xf32>
    %reduce_sum3A_11 = arith.constant dense<0.000000e+00> : vector<2048xf32>
    %reduce_sum3A_12 = vector.multi_reduction <add>, %mul3A_10, %reduce_sum3A_11 [1] : vector<2048x3xf32> to vector<2048xf32>
    %broadcast_in_dim3A_13 = vector.shape_cast %reduce_sum3A_12 : vector<2048xf32> to vector<2048x1xf32>
    %dot_general3A = arith.constant dense<0.000000e+00> : vector<512x2048xf32>
    %dot_general3A_14 = tpu.matmul %get3A_3, %get3A_8, %dot_general3A {dimension_numbers = #tpu.dot_dimension_numbers<[1], [1], [0], [0], [0, 0, 1, 0], [], []>, transpose_lhs_hint = false} : vector<512x3xf32>, vector<2048x3xf32>, vector<512x2048xf32> -> vector<512x2048xf32>
    %mul3A_15 = arith.constant -2.000000e+00 : f32
    %mul3A_16 = vector.broadcast %mul3A_15 : f32 to vector<512x2048xf32>
    %mul3A_17 = arith.mulf %mul3A_16, %dot_general3A_14 : vector<512x2048xf32>
    %add3A = vector.broadcast %broadcast_in_dim3A : vector<512x1xf32> to vector<512x2048xf32>
    %add3A_18 = arith.addf %mul3A_17, %add3A : vector<512x2048xf32>
    %transpose3A = tpu.transpose %broadcast_in_dim3A_13, [1, 0] : vector<2048x1xf32> -> vector<1x2048xf32>
    %add3A_19 = vector.broadcast %transpose3A : vector<1x2048xf32> to vector<512x2048xf32>
    %add3A_20 = arith.addf %add3A_18, %add3A_19 : vector<512x2048xf32>
    %iota3A = tpu.iota {dimensions = array<i32: 1>} : vector<512x2048xi32>
    %argmin3A = tpu.reduce_index %add3A_20 {axis = 1 : i32, kind = #tpu.reduction_kind<arg_min>} : vector<512x2048xf32> -> vector<512xi32>
    %mul3A_21 = arith.constant 2048 : i32
    %mul3A_22 = arith.muli %arg0, %mul3A_21 : i32
    %add3A_23 = vector.broadcast %mul3A_22 : i32 to vector<512xi32>
    %add3A_24 = arith.addi %argmin3A, %add3A_23 : vector<512xi32>
    %swap3A = arith.constant 0 : index
    %swap3A_25 = arith.constant 0 : index
    %swap3A_26 = arith.constant 0 : index
    %swap3A_27 = vector.load %arg4[%swap3A, %swap3A_25, %swap3A_26] : memref<1x512x16xi32, #tpu.memory_space<vmem>>, vector<1x512x1xi32>
    %swap3A_28 = vector.shape_cast %swap3A_27 : vector<1x512x1xi32> to vector<512xi32>
    %swap3A_29 = vector.shape_cast %add3A_24 : vector<512xi32> to vector<1x512x1xi32>
    tpu.vector_store %arg4[%swap3A, %swap3A_25, %swap3A_26], %swap3A_29 {strides = array<i32>} : memref<1x512x16xi32, #tpu.memory_space<vmem>>, vector<1x512x1xi32>,
    %broadcast_in_dim3A_30 = vector.shape_cast %argmin3A : vector<512xi32> to vector<512x1xi32>
    %eq3A = vector.broadcast %broadcast_in_dim3A_30 : vector<512x1xi32> to vector<512x2048xi32>
    %eq3A_31 = arith.cmpi eq, %iota3A, %eq3A : vector<512x2048xi32>
    %jit3A = arith.constant 0x7F800000 : f32
    %broadcast_in_dim3A_32 = vector.broadcast %jit3A : f32 to vector<512x2048xf32>
    %select_n3A = arith.select %eq3A_31, %broadcast_in_dim3A_32, %add3A_20 : vector<512x2048xi1>, vector<512x2048xf32>
    %argmin3A_33 = tpu.reduce_index %select_n3A {axis = 1 : i32, kind = #tpu.reduction_kind<arg_min>} : vector<512x2048xf32> -> vector<512xi32>
    %mul3A_34 = arith.constant 2048 : i32
    %mul3A_35 = arith.muli %arg0, %mul3A_34 : i32
    %add3A_36 = vector.broadcast %mul3A_35 : i32 to vector<512xi32>
    %add3A_37 = arith.addi %argmin3A_33, %add3A_36 : vector<512xi32>
    %swap3A_38 = arith.constant 0 : index
    %swap3A_39 = arith.constant 0 : index
    %swap3A_40 = arith.constant 1 : index
    %swap3A_41 = vector.load %arg4[%swap3A_38, %swap3A_39, %swap3A_40] : memref<1x512x16xi32, #tpu.memory_space<vmem>>, vector<1x512x1xi32>
    %swap3A_42 = vector.shape_cast %swap3A_41 : vector<1x512x1xi32> to vector<512xi32>
    %swap3A_43 = vector.shape_cast %add3A_37 : vector<512xi32> to vector<1x512x1xi32>
    tpu.vector_store %arg4[%swap3A_38, %swap3A_39, %swap3A_40], %swap3A_43 {strides = array<i32>} : memref<1x512x16xi32, #tpu.memory_space<vmem>>, vector<1x512x1xi32>,
    %broadcast_in_dim3A_44 = vector.shape_cast %argmin3A_33 : vector<512xi32> to vector<512x1xi32>
    %eq3A_45 = vector.broadcast %broadcast_in_dim3A_44 : vector<512x1xi32> to vector<512x2048xi32>
    %eq3A_46 = arith.cmpi eq, %iota3A, %eq3A_45 : vector<512x2048xi32>
    %jit3A_47 = arith.constant 0x7F800000 : f32
    %broadcast_in_dim3A_48 = vector.broadcast %jit3A_47 : f32 to vector<512x2048xf32>
    %select_n3A_49 = arith.select %eq3A_46, %broadcast_in_dim3A_48, %select_n3A : vector<512x2048xi1>, vector<512x2048xf32>
    %argmin3A_50 = tpu.reduce_index %select_n3A_49 {axis = 1 : i32, kind = #tpu.reduction_kind<arg_min>} : vector<512x2048xf32> -> vector<512xi32>
    %mul3A_51 = arith.constant 2048 : i32
    %mul3A_52 = arith.muli %arg0, %mul3A_51 : i32
    %add3A_53 = vector.broadcast %mul3A_52 : i32 to vector<512xi32>
    %add3A_54 = arith.addi %argmin3A_50, %add3A_53 : vector<512xi32>
    %swap3A_55 = arith.constant 0 : index
    %swap3A_56 = arith.constant 0 : index
    %swap3A_57 = arith.constant 2 : index
    %swap3A_58 = vector.load %arg4[%swap3A_55, %swap3A_56, %swap3A_57] : memref<1x512x16xi32, #tpu.memory_space<vmem>>, vector<1x512x1xi32>
    %swap3A_59 = vector.shape_cast %swap3A_58 : vector<1x512x1xi32> to vector<512xi32>
    %swap3A_60 = vector.shape_cast %add3A_54 : vector<512xi32> to vector<1x512x1xi32>
    tpu.vector_store %arg4[%swap3A_55, %swap3A_56, %swap3A_57], %swap3A_60 {strides = array<i32>} : memref<1x512x16xi32, #tpu.memory_space<vmem>>, vector<1x512x1xi32>,
    %broadcast_in_dim3A_61 = vector.shape_cast %argmin3A_50 : vector<512xi32> to vector<512x1xi32>
    %eq3A_62 = vector.broadcast %broadcast_in_dim3A_61 : vector<512x1xi32> to vector<512x2048xi32>
    %eq3A_63 = arith.cmpi eq, %iota3A, %eq3A_62 : vector<512x2048xi32>
    %jit3A_64 = arith.constant 0x7F800000 : f32
    %broadcast_in_dim3A_65 = vector.broadcast %jit3A_64 : f32 to vector<512x2048xf32>
    %select_n3A_66 = arith.select %eq3A_63, %broadcast_in_dim3A_65, %select_n3A_49 : vector<512x2048xi1>, vector<512x2048xf32>
    %argmin3A_67 = tpu.reduce_index %select_n3A_66 {axis = 1 : i32, kind = #tpu.reduction_kind<arg_min>} : vector<512x2048xf32> -> vector<512xi32>
    %mul3A_68 = arith.constant 2048 : i32
    %mul3A_69 = arith.muli %arg0, %mul3A_68 : i32
    %add3A_70 = vector.broadcast %mul3A_69 : i32 to vector<512xi32>
    %add3A_71 = arith.addi %argmin3A_67, %add3A_70 : vector<512xi32>
    %swap3A_72 = arith.constant 0 : index
    %swap3A_73 = arith.constant 0 : index
    %swap3A_74 = arith.constant 3 : index
    %swap3A_75 = vector.load %arg4[%swap3A_72, %swap3A_73, %swap3A_74] : memref<1x512x16xi32, #tpu.memory_space<vmem>>, vector<1x512x1xi32>
    %swap3A_76 = vector.shape_cast %swap3A_75 : vector<1x512x1xi32> to vector<512xi32>
    %swap3A_77 = vector.shape_cast %add3A_71 : vector<512xi32> to vector<1x512x1xi32>
    tpu.vector_store %arg4[%swap3A_72, %swap3A_73, %swap3A_74], %swap3A_77 {strides = array<i32>} : memref<1x512x16xi32, #tpu.memory_space<vmem>>, vector<1x512x1xi32>,
    %broadcast_in_dim3A_78 = vector.shape_cast %argmin3A_67 : vector<512xi32> to vector<512x1xi32>
    %eq3A_79 = vector.broadcast %broadcast_in_dim3A_78 : vector<512x1xi32> to vector<512x2048xi32>
    %eq3A_80 = arith.cmpi eq, %iota3A, %eq3A_79 : vector<512x2048xi32>
    %jit3A_81 = arith.constant 0x7F800000 : f32
    %broadcast_in_dim3A_82 = vector.broadcast %jit3A_81 : f32 to vector<512x2048xf32>
    %select_n3A_83 = arith.select %eq3A_80, %broadcast_in_dim3A_82, %select_n3A_66 : vector<512x2048xi1>, vector<512x2048xf32>
    %argmin3A_84 = tpu.reduce_index %select_n3A_83 {axis = 1 : i32, kind = #tpu.reduction_kind<arg_min>} : vector<512x2048xf32> -> vector<512xi32>
    %mul3A_85 = arith.constant 2048 : i32
    %mul3A_86 = arith.muli %arg0, %mul3A_85 : i32
    %add3A_87 = vector.broadcast %mul3A_86 : i32 to vector<512xi32>
    %add3A_88 = arith.addi %argmin3A_84, %add3A_87 : vector<512xi32>
    %swap3A_89 = arith.constant 0 : index
    %swap3A_90 = arith.constant 0 : index
    %swap3A_91 = arith.constant 4 : index
    %swap3A_92 = vector.load %arg4[%swap3A_89, %swap3A_90, %swap3A_91] : memref<1x512x16xi32, #tpu.memory_space<vmem>>, vector<1x512x1xi32>
    %swap3A_93 = vector.shape_cast %swap3A_92 : vector<1x512x1xi32> to vector<512xi32>
    %swap3A_94 = vector.shape_cast %add3A_88 : vector<512xi32> to vector<1x512x1xi32>
    tpu.vector_store %arg4[%swap3A_89, %swap3A_90, %swap3A_91], %swap3A_94 {strides = array<i32>} : memref<1x512x16xi32, #tpu.memory_space<vmem>>, vector<1x512x1xi32>,
    %broadcast_in_dim3A_95 = vector.shape_cast %argmin3A_84 : vector<512xi32> to vector<512x1xi32>
    %eq3A_96 = vector.broadcast %broadcast_in_dim3A_95 : vector<512x1xi32> to vector<512x2048xi32>
    %eq3A_97 = arith.cmpi eq, %iota3A, %eq3A_96 : vector<512x2048xi32>
    %jit3A_98 = arith.constant 0x7F800000 : f32
    %broadcast_in_dim3A_99 = vector.broadcast %jit3A_98 : f32 to vector<512x2048xf32>
    %select_n3A_100 = arith.select %eq3A_97, %broadcast_in_dim3A_99, %select_n3A_83 : vector<512x2048xi1>, vector<512x2048xf32>
    %argmin3A_101 = tpu.reduce_index %select_n3A_100 {axis = 1 : i32, kind = #tpu.reduction_kind<arg_min>} : vector<512x2048xf32> -> vector<512xi32>
    %mul3A_102 = arith.constant 2048 : i32
    %mul3A_103 = arith.muli %arg0, %mul3A_102 : i32
    %add3A_104 = vector.broadcast %mul3A_103 : i32 to vector<512xi32>
    %add3A_105 = arith.addi %argmin3A_101, %add3A_104 : vector<512xi32>
    %swap3A_106 = arith.constant 0 : index
    %swap3A_107 = arith.constant 0 : index
    %swap3A_108 = arith.constant 5 : index
    %swap3A_109 = vector.load %arg4[%swap3A_106, %swap3A_107, %swap3A_108] : memref<1x512x16xi32, #tpu.memory_space<vmem>>, vector<1x512x1xi32>
    %swap3A_110 = vector.shape_cast %swap3A_109 : vector<1x512x1xi32> to vector<512xi32>
    %swap3A_111 = vector.shape_cast %add3A_105 : vector<512xi32> to vector<1x512x1xi32>
    tpu.vector_store %arg4[%swap3A_106, %swap3A_107, %swap3A_108], %swap3A_111 {strides = array<i32>} : memref<1x512x16xi32, #tpu.memory_space<vmem>>, vector<1x512x1xi32>,
    %broadcast_in_dim3A_112 = vector.shape_cast %argmin3A_101 : vector<512xi32> to vector<512x1xi32>
    %eq3A_113 = vector.broadcast %broadcast_in_dim3A_112 : vector<512x1xi32> to vector<512x2048xi32>
    %eq3A_114 = arith.cmpi eq, %iota3A, %eq3A_113 : vector<512x2048xi32>
    %jit3A_115 = arith.constant 0x7F800000 : f32
    %broadcast_in_dim3A_116 = vector.broadcast %jit3A_115 : f32 to vector<512x2048xf32>
    %select_n3A_117 = arith.select %eq3A_114, %broadcast_in_dim3A_116, %select_n3A_100 : vector<512x2048xi1>, vector<512x2048xf32>
    %argmin3A_118 = tpu.reduce_index %select_n3A_117 {axis = 1 : i32, kind = #tpu.reduction_kind<arg_min>} : vector<512x2048xf32> -> vector<512xi32>
    %mul3A_119 = arith.constant 2048 : i32
    %mul3A_120 = arith.muli %arg0, %mul3A_119 : i32
    %add3A_121 = vector.broadcast %mul3A_120 : i32 to vector<512xi32>
    %add3A_122 = arith.addi %argmin3A_118, %add3A_121 : vector<512xi32>
    %swap3A_123 = arith.constant 0 : index
    %swap3A_124 = arith.constant 0 : index
    %swap3A_125 = arith.constant 6 : index
    %swap3A_126 = vector.load %arg4[%swap3A_123, %swap3A_124, %swap3A_125] : memref<1x512x16xi32, #tpu.memory_space<vmem>>, vector<1x512x1xi32>
    %swap3A_127 = vector.shape_cast %swap3A_126 : vector<1x512x1xi32> to vector<512xi32>
    %swap3A_128 = vector.shape_cast %add3A_122 : vector<512xi32> to vector<1x512x1xi32>
    tpu.vector_store %arg4[%swap3A_123, %swap3A_124, %swap3A_125], %swap3A_128 {strides = array<i32>} : memref<1x512x16xi32, #tpu.memory_space<vmem>>, vector<1x512x1xi32>,
    %broadcast_in_dim3A_129 = vector.shape_cast %argmin3A_118 : vector<512xi32> to vector<512x1xi32>
    %eq3A_130 = vector.broadcast %broadcast_in_dim3A_129 : vector<512x1xi32> to vector<512x2048xi32>
    %eq3A_131 = arith.cmpi eq, %iota3A, %eq3A_130 : vector<512x2048xi32>
    %jit3A_132 = arith.constant 0x7F800000 : f32
    %broadcast_in_dim3A_133 = vector.broadcast %jit3A_132 : f32 to vector<512x2048xf32>
    %select_n3A_134 = arith.select %eq3A_131, %broadcast_in_dim3A_133, %select_n3A_117 : vector<512x2048xi1>, vector<512x2048xf32>
    %argmin3A_135 = tpu.reduce_index %select_n3A_134 {axis = 1 : i32, kind = #tpu.reduction_kind<arg_min>} : vector<512x2048xf32> -> vector<512xi32>
    %mul3A_136 = arith.constant 2048 : i32
    %mul3A_137 = arith.muli %arg0, %mul3A_136 : i32
    %add3A_138 = vector.broadcast %mul3A_137 : i32 to vector<512xi32>
    %add3A_139 = arith.addi %argmin3A_135, %add3A_138 : vector<512xi32>
    %swap3A_140 = arith.constant 0 : index
    %swap3A_141 = arith.constant 0 : index
    %swap3A_142 = arith.constant 7 : index
    %swap3A_143 = vector.load %arg4[%swap3A_140, %swap3A_141, %swap3A_142] : memref<1x512x16xi32, #tpu.memory_space<vmem>>, vector<1x512x1xi32>
    %swap3A_144 = vector.shape_cast %swap3A_143 : vector<1x512x1xi32> to vector<512xi32>
    %swap3A_145 = vector.shape_cast %add3A_139 : vector<512xi32> to vector<1x512x1xi32>
    tpu.vector_store %arg4[%swap3A_140, %swap3A_141, %swap3A_142], %swap3A_145 {strides = array<i32>} : memref<1x512x16xi32, #tpu.memory_space<vmem>>, vector<1x512x1xi32>,
    %broadcast_in_dim3A_146 = vector.shape_cast %argmin3A_135 : vector<512xi32> to vector<512x1xi32>
    %eq3A_147 = vector.broadcast %broadcast_in_dim3A_146 : vector<512x1xi32> to vector<512x2048xi32>
    %eq3A_148 = arith.cmpi eq, %iota3A, %eq3A_147 : vector<512x2048xi32>
    %jit3A_149 = arith.constant 0x7F800000 : f32
    %broadcast_in_dim3A_150 = vector.broadcast %jit3A_149 : f32 to vector<512x2048xf32>
    %select_n3A_151 = arith.select %eq3A_148, %broadcast_in_dim3A_150, %select_n3A_134 : vector<512x2048xi1>, vector<512x2048xf32>
    %argmin3A_152 = tpu.reduce_index %select_n3A_151 {axis = 1 : i32, kind = #tpu.reduction_kind<arg_min>} : vector<512x2048xf32> -> vector<512xi32>
    %mul3A_153 = arith.constant 2048 : i32
    %mul3A_154 = arith.muli %arg0, %mul3A_153 : i32
    %add3A_155 = vector.broadcast %mul3A_154 : i32 to vector<512xi32>
    %add3A_156 = arith.addi %argmin3A_152, %add3A_155 : vector<512xi32>
    %swap3A_157 = arith.constant 0 : index
    %swap3A_158 = arith.constant 0 : index
    %swap3A_159 = arith.constant 8 : index
    %swap3A_160 = vector.load %arg4[%swap3A_157, %swap3A_158, %swap3A_159] : memref<1x512x16xi32, #tpu.memory_space<vmem>>, vector<1x512x1xi32>
    %swap3A_161 = vector.shape_cast %swap3A_160 : vector<1x512x1xi32> to vector<512xi32>
    %swap3A_162 = vector.shape_cast %add3A_156 : vector<512xi32> to vector<1x512x1xi32>
    tpu.vector_store %arg4[%swap3A_157, %swap3A_158, %swap3A_159], %swap3A_162 {strides = array<i32>} : memref<1x512x16xi32, #tpu.memory_space<vmem>>, vector<1x512x1xi32>,
    %broadcast_in_dim3A_163 = vector.shape_cast %argmin3A_152 : vector<512xi32> to vector<512x1xi32>
    %eq3A_164 = vector.broadcast %broadcast_in_dim3A_163 : vector<512x1xi32> to vector<512x2048xi32>
    %eq3A_165 = arith.cmpi eq, %iota3A, %eq3A_164 : vector<512x2048xi32>
    %jit3A_166 = arith.constant 0x7F800000 : f32
    %broadcast_in_dim3A_167 = vector.broadcast %jit3A_166 : f32 to vector<512x2048xf32>
    %select_n3A_168 = arith.select %eq3A_165, %broadcast_in_dim3A_167, %select_n3A_151 : vector<512x2048xi1>, vector<512x2048xf32>
    %argmin3A_169 = tpu.reduce_index %select_n3A_168 {axis = 1 : i32, kind = #tpu.reduction_kind<arg_min>} : vector<512x2048xf32> -> vector<512xi32>
    %mul3A_170 = arith.constant 2048 : i32
    %mul3A_171 = arith.muli %arg0, %mul3A_170 : i32
    %add3A_172 = vector.broadcast %mul3A_171 : i32 to vector<512xi32>
    %add3A_173 = arith.addi %argmin3A_169, %add3A_172 : vector<512xi32>
    %swap3A_174 = arith.constant 0 : index
    %swap3A_175 = arith.constant 0 : index
    %swap3A_176 = arith.constant 9 : index
    %swap3A_177 = vector.load %arg4[%swap3A_174, %swap3A_175, %swap3A_176] : memref<1x512x16xi32, #tpu.memory_space<vmem>>, vector<1x512x1xi32>
    %swap3A_178 = vector.shape_cast %swap3A_177 : vector<1x512x1xi32> to vector<512xi32>
    %swap3A_179 = vector.shape_cast %add3A_173 : vector<512xi32> to vector<1x512x1xi32>
    tpu.vector_store %arg4[%swap3A_174, %swap3A_175, %swap3A_176], %swap3A_179 {strides = array<i32>} : memref<1x512x16xi32, #tpu.memory_space<vmem>>, vector<1x512x1xi32>,
    %broadcast_in_dim3A_180 = vector.shape_cast %argmin3A_169 : vector<512xi32> to vector<512x1xi32>
    %eq3A_181 = vector.broadcast %broadcast_in_dim3A_180 : vector<512x1xi32> to vector<512x2048xi32>
    %eq3A_182 = arith.cmpi eq, %iota3A, %eq3A_181 : vector<512x2048xi32>
    %jit3A_183 = arith.constant 0x7F800000 : f32
    %broadcast_in_dim3A_184 = vector.broadcast %jit3A_183 : f32 to vector<512x2048xf32>
    %select_n3A_185 = arith.select %eq3A_182, %broadcast_in_dim3A_184, %select_n3A_168 : vector<512x2048xi1>, vector<512x2048xf32>
    %argmin3A_186 = tpu.reduce_index %select_n3A_185 {axis = 1 : i32, kind = #tpu.reduction_kind<arg_min>} : vector<512x2048xf32> -> vector<512xi32>
    %mul3A_187 = arith.constant 2048 : i32
    %mul3A_188 = arith.muli %arg0, %mul3A_187 : i32
    %add3A_189 = vector.broadcast %mul3A_188 : i32 to vector<512xi32>
    %add3A_190 = arith.addi %argmin3A_186, %add3A_189 : vector<512xi32>
    %swap3A_191 = arith.constant 0 : index
    %swap3A_192 = arith.constant 0 : index
    %swap3A_193 = arith.constant 10 : index
    %swap3A_194 = vector.load %arg4[%swap3A_191, %swap3A_192, %swap3A_193] : memref<1x512x16xi32, #tpu.memory_space<vmem>>, vector<1x512x1xi32>
    %swap3A_195 = vector.shape_cast %swap3A_194 : vector<1x512x1xi32> to vector<512xi32>
    %swap3A_196 = vector.shape_cast %add3A_190 : vector<512xi32> to vector<1x512x1xi32>
    tpu.vector_store %arg4[%swap3A_191, %swap3A_192, %swap3A_193], %swap3A_196 {strides = array<i32>} : memref<1x512x16xi32, #tpu.memory_space<vmem>>, vector<1x512x1xi32>,
    %broadcast_in_dim3A_197 = vector.shape_cast %argmin3A_186 : vector<512xi32> to vector<512x1xi32>
    %eq3A_198 = vector.broadcast %broadcast_in_dim3A_197 : vector<512x1xi32> to vector<512x2048xi32>
    %eq3A_199 = arith.cmpi eq, %iota3A, %eq3A_198 : vector<512x2048xi32>
    %jit3A_200 = arith.constant 0x7F800000 : f32
    %broadcast_in_dim3A_201 = vector.broadcast %jit3A_200 : f32 to vector<512x2048xf32>
    %select_n3A_202 = arith.select %eq3A_199, %broadcast_in_dim3A_201, %select_n3A_185 : vector<512x2048xi1>, vector<512x2048xf32>
    %argmin3A_203 = tpu.reduce_index %select_n3A_202 {axis = 1 : i32, kind = #tpu.reduction_kind<arg_min>} : vector<512x2048xf32> -> vector<512xi32>
    %mul3A_204 = arith.constant 2048 : i32
    %mul3A_205 = arith.muli %arg0, %mul3A_204 : i32
    %add3A_206 = vector.broadcast %mul3A_205 : i32 to vector<512xi32>
    %add3A_207 = arith.addi %argmin3A_203, %add3A_206 : vector<512xi32>
    %swap3A_208 = arith.constant 0 : index
    %swap3A_209 = arith.constant 0 : index
    %swap3A_210 = arith.constant 11 : index
    %swap3A_211 = vector.load %arg4[%swap3A_208, %swap3A_209, %swap3A_210] : memref<1x512x16xi32, #tpu.memory_space<vmem>>, vector<1x512x1xi32>
    %swap3A_212 = vector.shape_cast %swap3A_211 : vector<1x512x1xi32> to vector<512xi32>
    %swap3A_213 = vector.shape_cast %add3A_207 : vector<512xi32> to vector<1x512x1xi32>
    tpu.vector_store %arg4[%swap3A_208, %swap3A_209, %swap3A_210], %swap3A_213 {strides = array<i32>} : memref<1x512x16xi32, #tpu.memory_space<vmem>>, vector<1x512x1xi32>,
    %broadcast_in_dim3A_214 = vector.shape_cast %argmin3A_203 : vector<512xi32> to vector<512x1xi32>
    %eq3A_215 = vector.broadcast %broadcast_in_dim3A_214 : vector<512x1xi32> to vector<512x2048xi32>
    %eq3A_216 = arith.cmpi eq, %iota3A, %eq3A_215 : vector<512x2048xi32>
    %jit3A_217 = arith.constant 0x7F800000 : f32
    %broadcast_in_dim3A_218 = vector.broadcast %jit3A_217 : f32 to vector<512x2048xf32>
    %select_n3A_219 = arith.select %eq3A_216, %broadcast_in_dim3A_218, %select_n3A_202 : vector<512x2048xi1>, vector<512x2048xf32>
    %argmin3A_220 = tpu.reduce_index %select_n3A_219 {axis = 1 : i32, kind = #tpu.reduction_kind<arg_min>} : vector<512x2048xf32> -> vector<512xi32>
    %mul3A_221 = arith.constant 2048 : i32
    %mul3A_222 = arith.muli %arg0, %mul3A_221 : i32
    %add3A_223 = vector.broadcast %mul3A_222 : i32 to vector<512xi32>
    %add3A_224 = arith.addi %argmin3A_220, %add3A_223 : vector<512xi32>
    %swap3A_225 = arith.constant 0 : index
    %swap3A_226 = arith.constant 0 : index
    %swap3A_227 = arith.constant 12 : index
    %swap3A_228 = vector.load %arg4[%swap3A_225, %swap3A_226, %swap3A_227] : memref<1x512x16xi32, #tpu.memory_space<vmem>>, vector<1x512x1xi32>
    %swap3A_229 = vector.shape_cast %swap3A_228 : vector<1x512x1xi32> to vector<512xi32>
    %swap3A_230 = vector.shape_cast %add3A_224 : vector<512xi32> to vector<1x512x1xi32>
    tpu.vector_store %arg4[%swap3A_225, %swap3A_226, %swap3A_227], %swap3A_230 {strides = array<i32>} : memref<1x512x16xi32, #tpu.memory_space<vmem>>, vector<1x512x1xi32>,
    %broadcast_in_dim3A_231 = vector.shape_cast %argmin3A_220 : vector<512xi32> to vector<512x1xi32>
    %eq3A_232 = vector.broadcast %broadcast_in_dim3A_231 : vector<512x1xi32> to vector<512x2048xi32>
    %eq3A_233 = arith.cmpi eq, %iota3A, %eq3A_232 : vector<512x2048xi32>
    %jit3A_234 = arith.constant 0x7F800000 : f32
    %broadcast_in_dim3A_235 = vector.broadcast %jit3A_234 : f32 to vector<512x2048xf32>
    %select_n3A_236 = arith.select %eq3A_233, %broadcast_in_dim3A_235, %select_n3A_219 : vector<512x2048xi1>, vector<512x2048xf32>
    %argmin3A_237 = tpu.reduce_index %select_n3A_236 {axis = 1 : i32, kind = #tpu.reduction_kind<arg_min>} : vector<512x2048xf32> -> vector<512xi32>
    %mul3A_238 = arith.constant 2048 : i32
    %mul3A_239 = arith.muli %arg0, %mul3A_238 : i32
    %add3A_240 = vector.broadcast %mul3A_239 : i32 to vector<512xi32>
    %add3A_241 = arith.addi %argmin3A_237, %add3A_240 : vector<512xi32>
    %swap3A_242 = arith.constant 0 : index
    %swap3A_243 = arith.constant 0 : index
    %swap3A_244 = arith.constant 13 : index
    %swap3A_245 = vector.load %arg4[%swap3A_242, %swap3A_243, %swap3A_244] : memref<1x512x16xi32, #tpu.memory_space<vmem>>, vector<1x512x1xi32>
    %swap3A_246 = vector.shape_cast %swap3A_245 : vector<1x512x1xi32> to vector<512xi32>
    %swap3A_247 = vector.shape_cast %add3A_241 : vector<512xi32> to vector<1x512x1xi32>
    tpu.vector_store %arg4[%swap3A_242, %swap3A_243, %swap3A_244], %swap3A_247 {strides = array<i32>} : memref<1x512x16xi32, #tpu.memory_space<vmem>>, vector<1x512x1xi32>,
    %broadcast_in_dim3A_248 = vector.shape_cast %argmin3A_237 : vector<512xi32> to vector<512x1xi32>
    %eq3A_249 = vector.broadcast %broadcast_in_dim3A_248 : vector<512x1xi32> to vector<512x2048xi32>
    %eq3A_250 = arith.cmpi eq, %iota3A, %eq3A_249 : vector<512x2048xi32>
    %jit3A_251 = arith.constant 0x7F800000 : f32
    %broadcast_in_dim3A_252 = vector.broadcast %jit3A_251 : f32 to vector<512x2048xf32>
    %select_n3A_253 = arith.select %eq3A_250, %broadcast_in_dim3A_252, %select_n3A_236 : vector<512x2048xi1>, vector<512x2048xf32>
    %argmin3A_254 = tpu.reduce_index %select_n3A_253 {axis = 1 : i32, kind = #tpu.reduction_kind<arg_min>} : vector<512x2048xf32> -> vector<512xi32>
    %mul3A_255 = arith.constant 2048 : i32
    %mul3A_256 = arith.muli %arg0, %mul3A_255 : i32
    %add3A_257 = vector.broadcast %mul3A_256 : i32 to vector<512xi32>
    %add3A_258 = arith.addi %argmin3A_254, %add3A_257 : vector<512xi32>
    %swap3A_259 = arith.constant 0 : index
    %swap3A_260 = arith.constant 0 : index
    %swap3A_261 = arith.constant 14 : index
    %swap3A_262 = vector.load %arg4[%swap3A_259, %swap3A_260, %swap3A_261] : memref<1x512x16xi32, #tpu.memory_space<vmem>>, vector<1x512x1xi32>
    %swap3A_263 = vector.shape_cast %swap3A_262 : vector<1x512x1xi32> to vector<512xi32>
    %swap3A_264 = vector.shape_cast %add3A_258 : vector<512xi32> to vector<1x512x1xi32>
    tpu.vector_store %arg4[%swap3A_259, %swap3A_260, %swap3A_261], %swap3A_264 {strides = array<i32>} : memref<1x512x16xi32, #tpu.memory_space<vmem>>, vector<1x512x1xi32>,
    %broadcast_in_dim3A_265 = vector.shape_cast %argmin3A_254 : vector<512xi32> to vector<512x1xi32>
    %eq3A_266 = vector.broadcast %broadcast_in_dim3A_265 : vector<512x1xi32> to vector<512x2048xi32>
    %eq3A_267 = arith.cmpi eq, %iota3A, %eq3A_266 : vector<512x2048xi32>
    %jit3A_268 = arith.constant 0x7F800000 : f32
    %broadcast_in_dim3A_269 = vector.broadcast %jit3A_268 : f32 to vector<512x2048xf32>
    %select_n3A_270 = arith.select %eq3A_267, %broadcast_in_dim3A_269, %select_n3A_253 : vector<512x2048xi1>, vector<512x2048xf32>
    %argmin3A_271 = tpu.reduce_index %select_n3A_270 {axis = 1 : i32, kind = #tpu.reduction_kind<arg_min>} : vector<512x2048xf32> -> vector<512xi32>
    %mul3A_272 = arith.constant 2048 : i32
    %mul3A_273 = arith.muli %arg0, %mul3A_272 : i32
    %add3A_274 = vector.broadcast %mul3A_273 : i32 to vector<512xi32>
    %add3A_275 = arith.addi %argmin3A_271, %add3A_274 : vector<512xi32>
    %swap3A_276 = arith.constant 0 : index
    %swap3A_277 = arith.constant 0 : index
    %swap3A_278 = arith.constant 15 : index
    %swap3A_279 = vector.load %arg4[%swap3A_276, %swap3A_277, %swap3A_278] : memref<1x512x16xi32, #tpu.memory_space<vmem>>, vector<1x512x1xi32>
    %swap3A_280 = vector.shape_cast %swap3A_279 : vector<1x512x1xi32> to vector<512xi32>
    %swap3A_281 = vector.shape_cast %add3A_275 : vector<512xi32> to vector<1x512x1xi32>
    tpu.vector_store %arg4[%swap3A_276, %swap3A_277, %swap3A_278], %swap3A_281 {strides = array<i32>} : memref<1x512x16xi32, #tpu.memory_space<vmem>>, vector<1x512x1xi32>,
    return
  }
  func.func @transform_0(%arg0: i32, %arg1: i32) -> (i32, i32, i32) {
    %c0_i32 = arith.constant 0 : i32
    %c0_i32_0 = arith.constant 0 : i32
    return %arg0, %arg1, %c0_i32 : i32, i32, i32
  }
  func.func @transform_1(%arg0: i32, %arg1: i32) -> (i32, i32, i32) {
    %c0_i32 = arith.constant 0 : i32
    %c0_i32_0 = arith.constant 0 : i32
    %c0_i32_1 = arith.constant 0 : i32
    return %arg0, %c0_i32, %c0_i32_0 : i32, i32, i32
  }
  func.func @transform_2(%arg0: i32, %arg1: i32) -> (i32, i32, i32) {
    %c0_i32 = arith.constant 0 : i32
    %c0_i32_0 = arith.constant 0 : i32
    return %arg0, %arg1, %c0_i32 : i32, i32, i32
  }
}

module attributes {stable_mosaic.version = 14 : i64} {
  func.func @_table_body(%arg0: i32, %arg1: memref<1024x128xf32, #tpu.memory_space<vmem>>, %arg2: memref<1024x3xf32, #tpu.memory_space<vmem>>, %arg3: memref<128x128xf32, #tpu.memory_space<vmem>>, %arg4: memref<1x128xf32, #tpu.memory_space<vmem>>, %arg5: memref<1x128xf32, #tpu.memory_space<vmem>>, %arg6: memref<1x128xf32, #tpu.memory_space<vmem>>, %arg7: memref<128x128xf32, #tpu.memory_space<vmem>>, %arg8: memref<64x3xf32, #tpu.memory_space<vmem>>, %arg9: memref<1024x256xf32, #tpu.memory_space<vmem>>) attributes {dimension_semantics = [#tpu.dimension_semantics<arbitrary>], iteration_bounds = array<i64: 16>, scalar_prefetch = 0 : i64, scratch_operands = 0 : i64, tpu.core_type = #tpu.core_type<tc>, window_params = [{transform_indices = @transform_0, window_bounds = array<i64: 1024, 128>}, {transform_indices = @transform_1, window_bounds = array<i64: 1024, 3>}, {pipeline_mode = #tpu.pipeline_mode<synchronous>, transform_indices = @transform_2, window_bounds = array<i64: 128, 128>}, {pipeline_mode = #tpu.pipeline_mode<synchronous>, transform_indices = @transform_3, window_bounds = array<i64: 1, 128>}, {pipeline_mode = #tpu.pipeline_mode<synchronous>, transform_indices = @transform_4, window_bounds = array<i64: 1, 128>}, {pipeline_mode = #tpu.pipeline_mode<synchronous>, transform_indices = @transform_5, window_bounds = array<i64: 1, 128>}, {pipeline_mode = #tpu.pipeline_mode<synchronous>, transform_indices = @transform_6, window_bounds = array<i64: 128, 128>}, {pipeline_mode = #tpu.pipeline_mode<synchronous>, transform_indices = @transform_7, window_bounds = array<i64: 64, 3>}, {transform_indices = @transform_8, window_bounds = array<i64: 1024, 256>}]} {
    %get3A = arith.constant 0 : index
    %get3A_0 = arith.constant 0 : index
    %get3A_1 = vector.load %arg1[%get3A, %get3A_0] : memref<1024x128xf32, #tpu.memory_space<vmem>>, vector<1024x128xf32>
    %get3A_2 = arith.constant 0 : index
    %get3A_3 = arith.constant 0 : index
    %get3A_4 = vector.load %arg3[%get3A_2, %get3A_3] : memref<128x128xf32, #tpu.memory_space<vmem>>, vector<128x128xf32>
    %dot_general3A = arith.constant dense<0.000000e+00> : vector<1024x128xf32>
    %dot_general3A_5 = tpu.matmul %get3A_1, %get3A_4, %dot_general3A {dimension_numbers = #tpu.dot_dimension_numbers<[1], [1], [0], [0], [0, 0, 1, 0], [], []>, transpose_lhs_hint = false} : vector<1024x128xf32>, vector<128x128xf32>, vector<1024x128xf32> -> vector<1024x128xf32>
    %get3A_6 = arith.constant 0 : index
    %get3A_7 = arith.constant 0 : index
    %get3A_8 = vector.load %arg4[%get3A_6, %get3A_7] : memref<1x128xf32, #tpu.memory_space<vmem>>, vector<1x128xf32>
    %add3A = vector.broadcast %get3A_8 : vector<1x128xf32> to vector<1024x128xf32>
    %add3A_9 = arith.addf %dot_general3A_5, %add3A : vector<1024x128xf32>
    %reduce_sum3A = arith.constant dense<0.000000e+00> : vector<1024xf32>
    %reduce_sum3A_10 = vector.multi_reduction <add>, %add3A_9, %reduce_sum3A [1] : vector<1024x128xf32> to vector<1024xf32>
    %broadcast_in_dim3A = vector.shape_cast %reduce_sum3A_10 : vector<1024xf32> to vector<1024x1xf32>
    %div3A = arith.constant 1.280000e+02 : f32
    %div3A_11 = vector.broadcast %div3A : f32 to vector<1024x1xf32>
    %div3A_12 = arith.divf %broadcast_in_dim3A, %div3A_11 : vector<1024x1xf32>
    %sub3A = vector.broadcast %div3A_12 : vector<1024x1xf32> to vector<1024x128xf32>
    %sub3A_13 = arith.subf %add3A_9, %sub3A : vector<1024x128xf32>
    %sub3A_14 = vector.broadcast %div3A_12 : vector<1024x1xf32> to vector<1024x128xf32>
    %sub3A_15 = arith.subf %add3A_9, %sub3A_14 : vector<1024x128xf32>
    %mul3A = arith.mulf %sub3A_13, %sub3A_15 : vector<1024x128xf32>
    %reduce_sum3A_16 = arith.constant dense<0.000000e+00> : vector<1024xf32>
    %reduce_sum3A_17 = vector.multi_reduction <add>, %mul3A, %reduce_sum3A_16 [1] : vector<1024x128xf32> to vector<1024xf32>
    %broadcast_in_dim3A_18 = vector.shape_cast %reduce_sum3A_17 : vector<1024xf32> to vector<1024x1xf32>
    %div3A_19 = arith.constant 1.280000e+02 : f32
    %div3A_20 = vector.broadcast %div3A_19 : f32 to vector<1024x1xf32>
    %div3A_21 = arith.divf %broadcast_in_dim3A_18, %div3A_20 : vector<1024x1xf32>
    %sub3A_22 = vector.broadcast %div3A_12 : vector<1024x1xf32> to vector<1024x128xf32>
    %sub3A_23 = arith.subf %add3A_9, %sub3A_22 : vector<1024x128xf32>
    %add3A_24 = arith.constant 9.99999974E-6 : f32
    %add3A_25 = vector.broadcast %add3A_24 : f32 to vector<1024x1xf32>
    %add3A_26 = arith.addf %div3A_21, %add3A_25 : vector<1024x1xf32>
    %rsqrt3A = math.rsqrt %add3A_26 : vector<1024x1xf32>
    %mul3A_27 = vector.broadcast %rsqrt3A : vector<1024x1xf32> to vector<1024x128xf32>
    %mul3A_28 = arith.mulf %sub3A_23, %mul3A_27 : vector<1024x128xf32>
    %get3A_29 = arith.constant 0 : index
    %get3A_30 = arith.constant 0 : index
    %get3A_31 = vector.load %arg5[%get3A_29, %get3A_30] : memref<1x128xf32, #tpu.memory_space<vmem>>, vector<1x128xf32>
    %mul3A_32 = vector.broadcast %get3A_31 : vector<1x128xf32> to vector<1024x128xf32>
    %mul3A_33 = arith.mulf %mul3A_28, %mul3A_32 : vector<1024x128xf32>
    %get3A_34 = arith.constant 0 : index
    %get3A_35 = arith.constant 0 : index
    %get3A_36 = vector.load %arg6[%get3A_34, %get3A_35] : memref<1x128xf32, #tpu.memory_space<vmem>>, vector<1x128xf32>
    %add3A_37 = vector.broadcast %get3A_36 : vector<1x128xf32> to vector<1024x128xf32>
    %add3A_38 = arith.addf %mul3A_33, %add3A_37 : vector<1024x128xf32>
    %logistic3A = arith.negf %add3A_38 : vector<1024x128xf32>
    %logistic3A_39 = math.exp %logistic3A : vector<1024x128xf32>
    %logistic3A_40 = arith.constant 1.000000e+00 : f32
    %logistic3A_41 = vector.broadcast %logistic3A_40 : f32 to vector<1024x128xf32>
    %logistic3A_42 = arith.addf %logistic3A_41, %logistic3A_39 : vector<1024x128xf32>
    %logistic3A_43 = arith.divf %logistic3A_41, %logistic3A_42 : vector<1024x128xf32>
    %mul3A_44 = arith.mulf %add3A_38, %logistic3A_43 : vector<1024x128xf32>
    %get3A_45 = arith.constant 0 : index
    %get3A_46 = arith.constant 0 : index
    %get3A_47 = vector.load %arg7[%get3A_45, %get3A_46] : memref<128x128xf32, #tpu.memory_space<vmem>>, vector<128x128xf32>
    %dot_general3A_48 = arith.constant dense<0.000000e+00> : vector<1024x128xf32>
    %dot_general3A_49 = tpu.matmul %mul3A_44, %get3A_47, %dot_general3A_48 {dimension_numbers = #tpu.dot_dimension_numbers<[1], [1], [0], [0], [0, 0, 1, 0], [], []>, transpose_lhs_hint = false} : vector<1024x128xf32>, vector<128x128xf32>, vector<1024x128xf32> -> vector<1024x128xf32>
    %get3A_50 = arith.constant 0 : index
    %get3A_51 = arith.constant 0 : index
    %get3A_52 = vector.load %arg2[%get3A_50, %get3A_51] : memref<1024x3xf32, #tpu.memory_space<vmem>>, vector<1024x3xf32>
    %get3A_53 = arith.constant 0 : index
    %get3A_54 = arith.constant 0 : index
    %get3A_55 = vector.load %arg8[%get3A_53, %get3A_54] : memref<64x3xf32, #tpu.memory_space<vmem>>, vector<64x3xf32>
    %dot_general3A_56 = arith.constant dense<0.000000e+00> : vector<1024x64xf32>
    %dot_general3A_57 = tpu.matmul %get3A_52, %get3A_55, %dot_general3A_56 {dimension_numbers = #tpu.dot_dimension_numbers<[1], [1], [0], [0], [0, 0, 1, 0], [], []>, transpose_lhs_hint = false} : vector<1024x3xf32>, vector<64x3xf32>, vector<1024x64xf32> -> vector<1024x64xf32>
    %broadcast_in_dim3A_58 = arith.constant 0.000000e+00 : f32
    %broadcast_in_dim3A_59 = vector.broadcast %broadcast_in_dim3A_58 : f32 to vector<1024x64xf32>
    %concatenate3A = tpu.concatenate %dot_general3A_49, %dot_general3A_57, %broadcast_in_dim3A_59 in 1 : vector<1024x128xf32>, vector<1024x64xf32>, vector<1024x64xf32> -> vector<1024x256xf32>
    %swap3A = arith.constant 0 : index
    %swap3A_60 = arith.constant 0 : index
    %swap3A_61 = vector.load %arg9[%swap3A, %swap3A_60] : memref<1024x256xf32, #tpu.memory_space<vmem>>, vector<1024x256xf32>
    tpu.vector_store %arg9[%swap3A, %swap3A_60], %concatenate3A {strides = array<i32>} : memref<1024x256xf32, #tpu.memory_space<vmem>>, vector<1024x256xf32>,
    return
  }
  func.func @transform_0(%arg0: i32) -> (i32, i32) {
    %c0_i32 = arith.constant 0 : i32
    %c0_i32_0 = arith.constant 0 : i32
    return %arg0, %c0_i32 : i32, i32
  }
  func.func @transform_1(%arg0: i32) -> (i32, i32) {
    %c0_i32 = arith.constant 0 : i32
    %c0_i32_0 = arith.constant 0 : i32
    return %arg0, %c0_i32 : i32, i32
  }
  func.func @transform_2(%arg0: i32) -> (i32, i32) {
    %c0_i32 = arith.constant 0 : i32
    %c0_i32_0 = arith.constant 0 : i32
    %c0_i32_1 = arith.constant 0 : i32
    return %c0_i32, %c0_i32_0 : i32, i32
  }
  func.func @transform_3(%arg0: i32) -> (i32, i32) {
    %c0_i32 = arith.constant 0 : i32
    %c0_i32_0 = arith.constant 0 : i32
    %c0_i32_1 = arith.constant 0 : i32
    return %c0_i32, %c0_i32_0 : i32, i32
  }
  func.func @transform_4(%arg0: i32) -> (i32, i32) {
    %c0_i32 = arith.constant 0 : i32
    %c0_i32_0 = arith.constant 0 : i32
    %c0_i32_1 = arith.constant 0 : i32
    return %c0_i32, %c0_i32_0 : i32, i32
  }
  func.func @transform_5(%arg0: i32) -> (i32, i32) {
    %c0_i32 = arith.constant 0 : i32
    %c0_i32_0 = arith.constant 0 : i32
    %c0_i32_1 = arith.constant 0 : i32
    return %c0_i32, %c0_i32_0 : i32, i32
  }
  func.func @transform_6(%arg0: i32) -> (i32, i32) {
    %c0_i32 = arith.constant 0 : i32
    %c0_i32_0 = arith.constant 0 : i32
    %c0_i32_1 = arith.constant 0 : i32
    return %c0_i32, %c0_i32_0 : i32, i32
  }
  func.func @transform_7(%arg0: i32) -> (i32, i32) {
    %c0_i32 = arith.constant 0 : i32
    %c0_i32_0 = arith.constant 0 : i32
    %c0_i32_1 = arith.constant 0 : i32
    return %c0_i32, %c0_i32_0 : i32, i32
  }
  func.func @transform_8(%arg0: i32) -> (i32, i32) {
    %c0_i32 = arith.constant 0 : i32
    %c0_i32_0 = arith.constant 0 : i32
    return %arg0, %c0_i32 : i32, i32
  }
}

module attributes {stable_mosaic.version = 14 : i64} {
  func.func @_mom_body(%arg0: i32, %arg1: memref<4096x128xf32, #tpu.memory_space<vmem>>, %arg2: memref<256x128xf32, #tpu.memory_space<vmem>>, %arg3: memref<2x64xf32, #tpu.memory_space<vmem>>) attributes {dimension_semantics = [#tpu.dimension_semantics<arbitrary>], iteration_bounds = array<i64: 64>, scalar_prefetch = 0 : i64, scratch_operands = 0 : i64, tpu.core_type = #tpu.core_type<tc>, window_params = [{transform_indices = @transform_0, window_bounds = array<i64: 4096, 128>}, {transform_indices = @transform_1, window_bounds = array<i64: 256, 128>}, {pipeline_mode = #tpu.pipeline_mode<synchronous>, transform_indices = @transform_2, window_bounds = array<i64: 2, 64>}]} {
    %get3A = arith.constant 0 : index
    %get3A_0 = arith.constant 0 : index
    %get3A_1 = vector.load %arg1[%get3A, %get3A_0] : memref<4096x128xf32, #tpu.memory_space<vmem>>, vector<4096x128xf32>
    %reshape3A = vector.shape_cast %get3A_1 : vector<4096x128xf32> to vector<256x16x128xf32>
    %slice3A = vector.extract_strided_slice %reshape3A {offsets = [0, 0, 0], sizes = [256, 16, 64], strides = [1, 1, 1]} : vector<256x16x128xf32> to vector<256x16x64xf32>
    %get3A_2 = arith.constant 0 : index
    %get3A_3 = arith.constant 0 : index
    %get3A_4 = vector.load %arg2[%get3A_2, %get3A_3] : memref<256x128xf32, #tpu.memory_space<vmem>>, vector<256x128xf32>
    %slice3A_5 = vector.extract_strided_slice %get3A_4 {offsets = [0, 0], sizes = [256, 64], strides = [1, 1]} : vector<256x128xf32> to vector<256x64xf32>
    %broadcast_in_dim3A = vector.shape_cast %slice3A_5 : vector<256x64xf32> to vector<256x1x64xf32>
    %sub3A = vector.broadcast %broadcast_in_dim3A : vector<256x1x64xf32> to vector<256x16x64xf32>
    %sub3A_6 = arith.subf %slice3A, %sub3A : vector<256x16x64xf32>
    %reshape3A_7 = vector.shape_cast %sub3A_6 : vector<256x16x64xf32> to vector<4096x64xf32>
    %reduce_sum3A = arith.constant dense<0.000000e+00> : vector<64xf32>
    %reduce_sum3A_8 = vector.multi_reduction <add>, %reshape3A_7, %reduce_sum3A [0] : vector<4096x64xf32> to vector<64xf32>
    %broadcast_in_dim3A_9 = vector.shape_cast %reduce_sum3A_8 : vector<64xf32> to vector<1x64xf32>
    %mul3A = arith.mulf %reshape3A_7, %reshape3A_7 : vector<4096x64xf32>
    %reduce_sum3A_10 = arith.constant dense<0.000000e+00> : vector<64xf32>
    %reduce_sum3A_11 = vector.multi_reduction <add>, %mul3A, %reduce_sum3A_10 [0] : vector<4096x64xf32> to vector<64xf32>
    %broadcast_in_dim3A_12 = vector.shape_cast %reduce_sum3A_11 : vector<64xf32> to vector<1x64xf32>
    %eq3A = arith.constant 0 : i32
    %eq3A_13 = arith.cmpi eq, %arg0, %eq3A : i32
    %convert_element_type3A = arith.extui %eq3A_13 : i1 to i32
    %cond3A = arith.constant 0 : i32
    %cond3A_14 = arith.cmpi ne, %convert_element_type3A, %cond3A : i32
    scf.if %cond3A_14 {
      %broadcast_in_dim3A_27 = arith.constant 0.000000e+00 : f32
      %broadcast_in_dim3A_28 = vector.broadcast %broadcast_in_dim3A_27 : f32 to vector<2x64xf32>
      %swap3A_29 = arith.constant 0 : index
      %swap3A_30 = arith.constant 0 : index
      %swap3A_31 = vector.load %arg3[%swap3A_29, %swap3A_30] : memref<2x64xf32, #tpu.memory_space<vmem>>, vector<2x64xf32>
      tpu.vector_store %arg3[%swap3A_29, %swap3A_30], %broadcast_in_dim3A_28 {strides = array<i32>} : memref<2x64xf32, #tpu.memory_space<vmem>>, vector<2x64xf32>,
    } else {
    }
    %get3A_15 = arith.constant 0 : index
    %get3A_16 = arith.constant 0 : index
    %get3A_17 = vector.load %arg3[%get3A_15, %get3A_16] : memref<2x64xf32, #tpu.memory_space<vmem>>, vector<1x64xf32>
    %add3A = arith.addf %get3A_17, %broadcast_in_dim3A_9 : vector<1x64xf32>
    %swap3A = arith.constant 0 : index
    %swap3A_18 = arith.constant 0 : index
    %swap3A_19 = vector.load %arg3[%swap3A, %swap3A_18] : memref<2x64xf32, #tpu.memory_space<vmem>>, vector<1x64xf32>
    tpu.vector_store %arg3[%swap3A, %swap3A_18], %add3A {strides = array<i32>} : memref<2x64xf32, #tpu.memory_space<vmem>>, vector<1x64xf32>,
    %get3A_20 = arith.constant 1 : index
    %get3A_21 = arith.constant 0 : index
    %get3A_22 = vector.load %arg3[%get3A_20, %get3A_21] : memref<2x64xf32, #tpu.memory_space<vmem>>, vector<1x64xf32>
    %add3A_23 = arith.addf %get3A_22, %broadcast_in_dim3A_12 : vector<1x64xf32>
    %swap3A_24 = arith.constant 1 : index
    %swap3A_25 = arith.constant 0 : index
    %swap3A_26 = vector.load %arg3[%swap3A_24, %swap3A_25] : memref<2x64xf32, #tpu.memory_space<vmem>>, vector<1x64xf32>
    tpu.vector_store %arg3[%swap3A_24, %swap3A_25], %add3A_23 {strides = array<i32>} : memref<2x64xf32, #tpu.memory_space<vmem>>, vector<1x64xf32>,
    return
  }
  func.func @transform_0(%arg0: i32) -> (i32, i32) {
    %c1_i32 = arith.constant 1 : i32
    %c0_i32 = arith.constant 0 : i32
    return %arg0, %c1_i32 : i32, i32
  }
  func.func @transform_1(%arg0: i32) -> (i32, i32) {
    %c1_i32 = arith.constant 1 : i32
    %c0_i32 = arith.constant 0 : i32
    return %arg0, %c1_i32 : i32, i32
  }
  func.func @transform_2(%arg0: i32) -> (i32, i32) {
    %c0_i32 = arith.constant 0 : i32
    %c0_i32_0 = arith.constant 0 : i32
    %c0_i32_1 = arith.constant 0 : i32
    return %c0_i32, %c0_i32_0 : i32, i32
  }
}

module attributes {stable_mosaic.version = 14 : i64} {
  func.func @_fuse_body(%arg0: i32, %arg1: memref<4096x128xf32, #tpu.memory_space<vmem>>, %arg2: memref<4096x128xf32, #tpu.memory_space<vmem>>, %arg3: memref<256x128xf32, #tpu.memory_space<vmem>>, %arg4: memref<2x64xf32, #tpu.memory_space<vmem>>, %arg5: memref<128x64xf32, #tpu.memory_space<vmem>>, %arg6: memref<1x128xf32, #tpu.memory_space<vmem>>, %arg7: memref<1x128xf32, #tpu.memory_space<vmem>>, %arg8: memref<1x128xf32, #tpu.memory_space<vmem>>, %arg9: memref<2x128xf32, #tpu.memory_space<vmem>>, %arg10: memref<256x128xf32, #tpu.memory_space<vmem>>) attributes {dimension_semantics = [#tpu.dimension_semantics<arbitrary>], iteration_bounds = array<i64: 64>, scalar_prefetch = 0 : i64, scratch_operands = 0 : i64, tpu.core_type = #tpu.core_type<tc>, window_params = [{transform_indices = @transform_0, window_bounds = array<i64: 4096, 128>}, {transform_indices = @transform_1, window_bounds = array<i64: 4096, 128>}, {transform_indices = @transform_2, window_bounds = array<i64: 256, 128>}, {pipeline_mode = #tpu.pipeline_mode<synchronous>, transform_indices = @transform_3, window_bounds = array<i64: 2, 64>}, {pipeline_mode = #tpu.pipeline_mode<synchronous>, transform_indices = @transform_4, window_bounds = array<i64: 128, 64>}, {pipeline_mode = #tpu.pipeline_mode<synchronous>, transform_indices = @transform_5, window_bounds = array<i64: 1, 128>}, {pipeline_mode = #tpu.pipeline_mode<synchronous>, transform_indices = @transform_6, window_bounds = array<i64: 1, 128>}, {pipeline_mode = #tpu.pipeline_mode<synchronous>, transform_indices = @transform_7, window_bounds = array<i64: 1, 128>}, {pipeline_mode = #tpu.pipeline_mode<synchronous>, transform_indices = @transform_8, window_bounds = array<i64: 2, 128>}, {transform_indices = @transform_9, window_bounds = array<i64: 256, 128>}]} {
    %get3A = arith.constant 0 : index
    %get3A_0 = arith.constant 0 : index
    %get3A_1 = vector.load %arg1[%get3A, %get3A_0] : memref<4096x128xf32, #tpu.memory_space<vmem>>, vector<4096x128xf32>
    %reshape3A = vector.shape_cast %get3A_1 : vector<4096x128xf32> to vector<256x16x128xf32>
    %get3A_2 = arith.constant 0 : index
    %get3A_3 = arith.constant 0 : index
    %get3A_4 = vector.load %arg2[%get3A_2, %get3A_3] : memref<4096x128xf32, #tpu.memory_space<vmem>>, vector<4096x128xf32>
    %reshape3A_5 = vector.shape_cast %get3A_4 : vector<4096x128xf32> to vector<256x16x128xf32>
    %slice3A = vector.extract_strided_slice %reshape3A_5 {offsets = [0, 0, 0], sizes = [256, 16, 64], strides = [1, 1, 1]} : vector<256x16x128xf32> to vector<256x16x64xf32>
    %get3A_6 = arith.constant 0 : index
    %get3A_7 = arith.constant 0 : index
    %get3A_8 = vector.load %arg3[%get3A_6, %get3A_7] : memref<256x128xf32, #tpu.memory_space<vmem>>, vector<256x128xf32>
    %slice3A_9 = vector.extract_strided_slice %get3A_8 {offsets = [0, 0], sizes = [256, 64], strides = [1, 1]} : vector<256x128xf32> to vector<256x64xf32>
    %broadcast_in_dim3A = vector.shape_cast %slice3A_9 : vector<256x64xf32> to vector<256x1x64xf32>
    %sub3A = vector.broadcast %broadcast_in_dim3A : vector<256x1x64xf32> to vector<256x16x64xf32>
    %sub3A_10 = arith.subf %slice3A, %sub3A : vector<256x16x64xf32>
    %get3A_11 = arith.constant 0 : index
    %get3A_12 = arith.constant 0 : index
    %get3A_13 = vector.load %arg4[%get3A_11, %get3A_12] : memref<2x64xf32, #tpu.memory_space<vmem>>, vector<2x64xf32>
    %slice3A_14 = vector.extract_strided_slice %get3A_13 {offsets = [0, 0], sizes = [1, 64], strides = [1, 1]} : vector<2x64xf32> to vector<1x64xf32>
    %broadcast_in_dim3A_15 = vector.shape_cast %slice3A_14 : vector<1x64xf32> to vector<1x1x64xf32>
    %mul3A = vector.broadcast %broadcast_in_dim3A_15 : vector<1x1x64xf32> to vector<256x16x64xf32>
    %mul3A_16 = arith.mulf %sub3A_10, %mul3A : vector<256x16x64xf32>
    %slice3A_17 = vector.extract_strided_slice %get3A_13 {offsets = [1, 0], sizes = [1, 64], strides = [1, 1]} : vector<2x64xf32> to vector<1x64xf32>
    %broadcast_in_dim3A_18 = vector.shape_cast %slice3A_17 : vector<1x64xf32> to vector<1x1x64xf32>
    %add3A = vector.broadcast %broadcast_in_dim3A_18 : vector<1x1x64xf32> to vector<256x16x64xf32>
    %add3A_19 = arith.addf %mul3A_16, %add3A : vector<256x16x64xf32>
    %logistic3A = arith.negf %add3A_19 : vector<256x16x64xf32>
    %logistic3A_20 = math.exp %logistic3A : vector<256x16x64xf32>
    %logistic3A_21 = arith.constant 1.000000e+00 : f32
    %logistic3A_22 = vector.broadcast %logistic3A_21 : f32 to vector<256x16x64xf32>
    %logistic3A_23 = arith.addf %logistic3A_22, %logistic3A_20 : vector<256x16x64xf32>
    %logistic3A_24 = arith.divf %logistic3A_22, %logistic3A_23 : vector<256x16x64xf32>
    %mul3A_25 = arith.mulf %add3A_19, %logistic3A_24 : vector<256x16x64xf32>
    %get3A_26 = arith.constant 0 : index
    %get3A_27 = arith.constant 0 : index
    %get3A_28 = vector.load %arg5[%get3A_26, %get3A_27] : memref<128x64xf32, #tpu.memory_space<vmem>>, vector<128x64xf32>
    %dot_general3A = arith.constant dense<0.000000e+00> : vector<256x16x128xf32>
    %dot_general3A_29 = tpu.matmul %mul3A_25, %get3A_28, %dot_general3A {dimension_numbers = #tpu.dot_dimension_numbers<[2], [1], [0, 1], [0], [0, 0, 0, 1, 1, 0], [], []>, transpose_lhs_hint = false} : vector<256x16x64xf32>, vector<128x64xf32>, vector<256x16x128xf32> -> vector<256x16x128xf32>
    %add3A_30 = arith.addf %dot_general3A_29, %reshape3A : vector<256x16x128xf32>
    %get3A_31 = arith.constant 0 : index
    %get3A_32 = arith.constant 0 : index
    %get3A_33 = vector.load %arg6[%get3A_31, %get3A_32] : memref<1x128xf32, #tpu.memory_space<vmem>>, vector<1x128xf32>
    %broadcast_in_dim3A_34 = vector.shape_cast %get3A_33 : vector<1x128xf32> to vector<1x1x128xf32>
    %add3A_35 = vector.broadcast %broadcast_in_dim3A_34 : vector<1x1x128xf32> to vector<256x16x128xf32>
    %add3A_36 = arith.addf %add3A_30, %add3A_35 : vector<256x16x128xf32>
    %reduce_sum3A = arith.constant dense<0.000000e+00> : vector<256x16xf32>
    %reduce_sum3A_37 = vector.multi_reduction <add>, %add3A_36, %reduce_sum3A [2] : vector<256x16x128xf32> to vector<256x16xf32>
    %broadcast_in_dim3A_38 = vector.shape_cast %reduce_sum3A_37 : vector<256x16xf32> to vector<256x16x1xf32>
    %div3A = arith.constant 1.280000e+02 : f32
    %div3A_39 = vector.broadcast %div3A : f32 to vector<256x16x1xf32>
    %div3A_40 = arith.divf %broadcast_in_dim3A_38, %div3A_39 : vector<256x16x1xf32>
    %sub3A_41 = vector.broadcast %div3A_40 : vector<256x16x1xf32> to vector<256x16x128xf32>
    %sub3A_42 = arith.subf %add3A_36, %sub3A_41 : vector<256x16x128xf32>
    %sub3A_43 = vector.broadcast %div3A_40 : vector<256x16x1xf32> to vector<256x16x128xf32>
    %sub3A_44 = arith.subf %add3A_36, %sub3A_43 : vector<256x16x128xf32>
    %mul3A_45 = arith.mulf %sub3A_42, %sub3A_44 : vector<256x16x128xf32>
    %reduce_sum3A_46 = arith.constant dense<0.000000e+00> : vector<256x16xf32>
    %reduce_sum3A_47 = vector.multi_reduction <add>, %mul3A_45, %reduce_sum3A_46 [2] : vector<256x16x128xf32> to vector<256x16xf32>
    %broadcast_in_dim3A_48 = vector.shape_cast %reduce_sum3A_47 : vector<256x16xf32> to vector<256x16x1xf32>
    %div3A_49 = arith.constant 1.280000e+02 : f32
    %div3A_50 = vector.broadcast %div3A_49 : f32 to vector<256x16x1xf32>
    %div3A_51 = arith.divf %broadcast_in_dim3A_48, %div3A_50 : vector<256x16x1xf32>
    %get3A_52 = arith.constant 0 : index
    %get3A_53 = arith.constant 0 : index
    %get3A_54 = vector.load %arg7[%get3A_52, %get3A_53] : memref<1x128xf32, #tpu.memory_space<vmem>>, vector<1x128xf32>
    %broadcast_in_dim3A_55 = vector.shape_cast %get3A_54 : vector<1x128xf32> to vector<1x1x128xf32>
    %get3A_56 = arith.constant 0 : index
    %get3A_57 = arith.constant 0 : index
    %get3A_58 = vector.load %arg8[%get3A_56, %get3A_57] : memref<1x128xf32, #tpu.memory_space<vmem>>, vector<1x128xf32>
    %broadcast_in_dim3A_59 = vector.shape_cast %get3A_58 : vector<1x128xf32> to vector<1x1x128xf32>
    %sub3A_60 = vector.broadcast %div3A_40 : vector<256x16x1xf32> to vector<256x16x128xf32>
    %sub3A_61 = arith.subf %add3A_36, %sub3A_60 : vector<256x16x128xf32>
    %add3A_62 = arith.constant 9.99999974E-6 : f32
    %add3A_63 = vector.broadcast %add3A_62 : f32 to vector<256x16x1xf32>
    %add3A_64 = arith.addf %div3A_51, %add3A_63 : vector<256x16x1xf32>
    %rsqrt3A = math.rsqrt %add3A_64 : vector<256x16x1xf32>
    %mul3A_65 = vector.broadcast %rsqrt3A : vector<256x16x1xf32> to vector<256x16x128xf32>
    %mul3A_66 = arith.mulf %sub3A_61, %mul3A_65 : vector<256x16x128xf32>
    %mul3A_67 = vector.broadcast %broadcast_in_dim3A_55 : vector<1x1x128xf32> to vector<256x16x128xf32>
    %mul3A_68 = arith.mulf %mul3A_66, %mul3A_67 : vector<256x16x128xf32>
    %add3A_69 = vector.broadcast %broadcast_in_dim3A_59 : vector<1x1x128xf32> to vector<256x16x128xf32>
    %add3A_70 = arith.addf %mul3A_68, %add3A_69 : vector<256x16x128xf32>
    %logistic3A_71 = arith.negf %add3A_70 : vector<256x16x128xf32>
    %logistic3A_72 = math.exp %logistic3A_71 : vector<256x16x128xf32>
    %logistic3A_73 = arith.constant 1.000000e+00 : f32
    %logistic3A_74 = vector.broadcast %logistic3A_73 : f32 to vector<256x16x128xf32>
    %logistic3A_75 = arith.addf %logistic3A_74, %logistic3A_72 : vector<256x16x128xf32>
    %logistic3A_76 = arith.divf %logistic3A_74, %logistic3A_75 : vector<256x16x128xf32>
    %mul3A_77 = arith.mulf %add3A_70, %logistic3A_76 : vector<256x16x128xf32>
    %get3A_78 = arith.constant 0 : index
    %get3A_79 = arith.constant 0 : index
    %get3A_80 = vector.load %arg9[%get3A_78, %get3A_79] : memref<2x128xf32, #tpu.memory_space<vmem>>, vector<2x128xf32>
    %slice3A_81 = vector.extract_strided_slice %get3A_80 {offsets = [0, 0], sizes = [1, 128], strides = [1, 1]} : vector<2x128xf32> to vector<1x128xf32>
    %broadcast_in_dim3A_82 = vector.shape_cast %slice3A_81 : vector<1x128xf32> to vector<1x1x128xf32>
    %mul3A_83 = vector.broadcast %broadcast_in_dim3A_82 : vector<1x1x128xf32> to vector<256x16x128xf32>
    %mul3A_84 = arith.mulf %mul3A_83, %mul3A_77 : vector<256x16x128xf32>
    %slice3A_85 = vector.extract_strided_slice %get3A_80 {offsets = [1, 0], sizes = [1, 128], strides = [1, 1]} : vector<2x128xf32> to vector<1x128xf32>
    %broadcast_in_dim3A_86 = vector.shape_cast %slice3A_85 : vector<1x128xf32> to vector<1x1x128xf32>
    %add3A_87 = vector.broadcast %broadcast_in_dim3A_86 : vector<1x1x128xf32> to vector<256x16x128xf32>
    %add3A_88 = arith.addf %mul3A_84, %add3A_87 : vector<256x16x128xf32>
    %reduce_sum3A_89 = arith.constant dense<0.000000e+00> : vector<256x16xf32>
    %reduce_sum3A_90 = vector.multi_reduction <add>, %add3A_88, %reduce_sum3A_89 [2] : vector<256x16x128xf32> to vector<256x16xf32>
    %reduce_max3A = arith.constant dense<0xFF800000> : vector<256xf32>
    %reduce_max3A_91 = vector.multi_reduction <maximumf>, %reduce_sum3A_90, %reduce_max3A [1] : vector<256x16xf32> to vector<256xf32>
    %broadcast_in_dim3A_92 = vector.shape_cast %reduce_max3A_91 : vector<256xf32> to vector<256x1xf32>
    %sub3A_93 = vector.broadcast %broadcast_in_dim3A_92 : vector<256x1xf32> to vector<256x16xf32>
    %sub3A_94 = arith.subf %reduce_sum3A_90, %sub3A_93 : vector<256x16xf32>
    %exp3A = math.exp %sub3A_94 : vector<256x16xf32>
    %reduce_sum3A_95 = arith.constant dense<0.000000e+00> : vector<256xf32>
    %reduce_sum3A_96 = vector.multi_reduction <add>, %exp3A, %reduce_sum3A_95 [1] : vector<256x16xf32> to vector<256xf32>
    %broadcast_in_dim3A_97 = vector.shape_cast %reduce_sum3A_96 : vector<256xf32> to vector<256x1xf32>
    %div3A_98 = vector.broadcast %broadcast_in_dim3A_97 : vector<256x1xf32> to vector<256x16xf32>
    %div3A_99 = arith.divf %exp3A, %div3A_98 : vector<256x16xf32>
    %broadcast_in_dim3A_100 = vector.shape_cast %div3A_99 : vector<256x16xf32> to vector<256x16x1xf32>
    %mul3A_101 = vector.broadcast %broadcast_in_dim3A_100 : vector<256x16x1xf32> to vector<256x16x128xf32>
    %mul3A_102 = arith.mulf %mul3A_101, %add3A_88 : vector<256x16x128xf32>
    %reduce_sum3A_103 = arith.constant dense<0.000000e+00> : vector<256x128xf32>
    %reduce_sum3A_104 = vector.multi_reduction <add>, %mul3A_102, %reduce_sum3A_103 [1] : vector<256x16x128xf32> to vector<256x128xf32>
    %swap3A = arith.constant 0 : index
    %swap3A_105 = arith.constant 0 : index
    %swap3A_106 = vector.load %arg10[%swap3A, %swap3A_105] : memref<256x128xf32, #tpu.memory_space<vmem>>, vector<256x128xf32>
    tpu.vector_store %arg10[%swap3A, %swap3A_105], %reduce_sum3A_104 {strides = array<i32>} : memref<256x128xf32, #tpu.memory_space<vmem>>, vector<256x128xf32>,
    return
  }
  func.func @transform_0(%arg0: i32) -> (i32, i32) {
    %c0_i32 = arith.constant 0 : i32
    %c0_i32_0 = arith.constant 0 : i32
    return %arg0, %c0_i32 : i32, i32
  }
  func.func @transform_1(%arg0: i32) -> (i32, i32) {
    %c1_i32 = arith.constant 1 : i32
    %c0_i32 = arith.constant 0 : i32
    return %arg0, %c1_i32 : i32, i32
  }
  func.func @transform_2(%arg0: i32) -> (i32, i32) {
    %c1_i32 = arith.constant 1 : i32
    %c0_i32 = arith.constant 0 : i32
    return %arg0, %c1_i32 : i32, i32
  }
  func.func @transform_3(%arg0: i32) -> (i32, i32) {
    %c0_i32 = arith.constant 0 : i32
    %c0_i32_0 = arith.constant 0 : i32
    %c0_i32_1 = arith.constant 0 : i32
    return %c0_i32, %c0_i32_0 : i32, i32
  }
  func.func @transform_4(%arg0: i32) -> (i32, i32) {
    %c0_i32 = arith.constant 0 : i32
    %c0_i32_0 = arith.constant 0 : i32
    %c0_i32_1 = arith.constant 0 : i32
    return %c0_i32, %c0_i32_0 : i32, i32
  }
  func.func @transform_5(%arg0: i32) -> (i32, i32) {
    %c0_i32 = arith.constant 0 : i32
    %c0_i32_0 = arith.constant 0 : i32
    %c0_i32_1 = arith.constant 0 : i32
    return %c0_i32, %c0_i32_0 : i32, i32
  }
  func.func @transform_6(%arg0: i32) -> (i32, i32) {
    %c0_i32 = arith.constant 0 : i32
    %c0_i32_0 = arith.constant 0 : i32
    %c0_i32_1 = arith.constant 0 : i32
    return %c0_i32, %c0_i32_0 : i32, i32
  }
  func.func @transform_7(%arg0: i32) -> (i32, i32) {
    %c0_i32 = arith.constant 0 : i32
    %c0_i32_0 = arith.constant 0 : i32
    %c0_i32_1 = arith.constant 0 : i32
    return %c0_i32, %c0_i32_0 : i32, i32
  }
  func.func @transform_8(%arg0: i32) -> (i32, i32) {
    %c0_i32 = arith.constant 0 : i32
    %c0_i32_0 = arith.constant 0 : i32
    %c0_i32_1 = arith.constant 0 : i32
    return %c0_i32, %c0_i32_0 : i32, i32
  }
  func.func @transform_9(%arg0: i32) -> (i32, i32) {
    %c0_i32 = arith.constant 0 : i32
    %c0_i32_0 = arith.constant 0 : i32
    return %arg0, %c0_i32 : i32, i32
  }
}

</mosaic_0001>

<sc_bundles>
// kernel: kernel.7.cloned.1.call-start
scs
__scs_entry_jumppad:
0x0: {  	(pc) =	sbr.rel $0x88, $3  }
0x1: {  	(tag) =	ssettag $0x0;
	lr =	simm.s32 $0x1  }
0x2: {  	[smem:$0x3F8F] =	sst lr;
	_ =	strace $0xD0000000  }
0x3: {  	_ = 	snop  }
0x4: {  	_ = 	snop  }
0x5: {  	_ = 	snop  }
0x6: {  	_ = 	snop  }
0x7: {  	_ = 	snop  }
__scs_overlays_trampoline_lowered:
0x8: {  	[smem:$0x3F9E] =	sst s0  }
0x9: {  	[smem:$0x3F9F] =	sst s1  }
0xa: {  	[smem:$0x3FA0] =	sst s2  }
0xb: {  	[smem:$0x3FA1] =	sst s3  }
0xc: {  	[smem:$0x3FA2] =	sst s4  }
0xd: {  	[smem:$0x3FA3] =	sst s5  }
0xe: {  	[smem:$0x3FA4] =	sst s6  }
0xf: {  	[smem:$0x3FA5] =	sst s7  }
0x10: {  	[smem:$0x3FA6] =	sst s8  }
0x11: {  	[smem:$0x3FA7] =	sst s9;
	s0 =	simm.s32 @!p0 $0x0  }
0x12: {  	s1 =	sld [smem:$0x3F8D];
	s0 =	simm.s32 @p0 $0x1  }
0x13: {  	[smem:$0x3FA8] =	sst s0;
	s0 =	simm.s32 @!p1 $0x0  }
0x14: {  	s2 =	sld [smem:$0x3F8C];
	s0 =	simm.s32 @p1 $0x1  }
0x15: {  	[smem:$0x3FA9] =	sst s0;
	s0 =	simm.s32 @!p2 $0x0  }
0x16: {  	s3 =	sld [smem:$0x3FDB];
	s0 =	simm.s32 @p2 $0x1  }
0x17: {  	s4 =	simm.s32 $0x1BF5;
	[smem:$0x3FAB] =	sst s0  }
0x18: {  	s0 =	sld [smem:$0x3F8E];
	_ =	swait.ge [sflag:s4], $0x0  }
0x19: {  	s7 =	sld [smem:$0x3F8F]  }
0x1a: {  	s8 =	sadd.s32 $0xFFFFE003, lr  }
0x1b: {  	s9 =	sadd.s32 $0xFFFFFEF7, lr;
	s5 =	simm.s32 $0xFFFFFFFF;
	p2 =	slt.u32 s8, $0xFFFFF086  }
0x1c: {  	p1 =	slt.u32 s9, $0xF7A;
	s5 =	simm.s32 @!p2 $0x0  }
0x1d: {  	s5 =	simm.s32 @p1 $0x1;
	p0 =	seq.s32 s7, s2  }
0x1e: {  	s7 =	smul.u32 @!p0 $0xF7A, s2;
	p2 =	seq.s32 @!p0 s5, $0x0  }
0x1f: {  	s9 =	smul.u32 $0xF7A, s1;
	s8 =	simm.s32 @!p0 $0x1BF5;
	p2 =	por !p2, p0  }
0x20: {  	[sflag:s8] =	ssyncset.s32 @!p0 $0xFFFFF086;
	s6 =	sadd.s32 @!p0 s3, s7;
	s7 =	simm.s32 @!p0 $0x108  }
0x21: {  	s3 =	sadd.s32 s3, s9;
	s6 =	sadd.s32 @!p0 $0x88, s6;
	s7 =	simm.s32 @p2 $0x1082  }
0x22: {  	[simem:s7], [sflag:s8] =	dma.local @!p0 [hbm:s6], $0xF7A  }
0x23: {  	s9 =	sor.u32 $0xD0000000, s2;
	s6 =	simm.s32 $0x108;
	_ =	swait.ge @!p0 [sflag:s8], $0x0  }
0x24: {  	s3 =	sadd.s32 $0x88, s3;
	s6 =	simm.s32 @!p1 $0x1082;
	[sflag:s4] =	ssyncset.s32 $0xFFFFF086  }
0x25: {  	[simem:s6], [sflag:s4] =	dma.local [hbm:s3], $0xF7A  }
0x26: {  	[smem:$0x3F8F] =	sst s1;
	(tag) =	ssettag s2;
	_ =	strace s9  }
0x27: {  	s1 =	sld [smem:$0x3F9F]  }
0x28: {  	s2 =	sld [smem:$0x3FA0]  }
0x29: {  	s4 =	sld [smem:$0x3FA2]  }
0x2a: {  	p0 =	seq.s32 s5, $0x0;
	s5 =	sld [smem:$0x3FA3]  }
0x2b: {  	s6 =	sld [smem:$0x3FA4]  }
0x2c: {  	s7 =	sld [smem:$0x3FA5]  }
0x2d: {  	s3 =	simm.s32 $0x108;
	s8 =	sld [smem:$0x3FA6]  }
0x2e: {  	s3 =	simm.s32 @!p0 $0x1082;
	s9 =	sld [smem:$0x3FA7]  }
0x2f: {  	lr =	sadd.s32 s0, s3;
	s0 =	sld [smem:$0x3F9E]  }
0x30: {  	s3 =	sld [smem:$0x3FA1]  }
0x31: {  	[smem:$0x3FAA] =	sst s10  }
0x32: {  	s10 =	sld [smem:$0x3FA8];
	_ =	sdelay $0x3  }
0x33: {  	p0 =	seq.s32 s10, $0x1;
	s10 =	sld [smem:$0x3FAA];
	_ =	sdelay $0x3  }
0x34: {  	[smem:$0x3FAA] =	sst s10  }
0x35: {  	s10 =	sld [smem:$0x3FA9];
	_ =	sdelay $0x3  }
0x36: {  	p1 =	seq.s32 s10, $0x1;
	s10 =	sld [smem:$0x3FAA];
	_ =	sdelay $0x3  }
0x37: {  	[smem:$0x3FAA] =	sst s10  }
0x38: {  	s10 =	sld [smem:$0x3FAB]  }
0x39: {  	_ = 	snop;
	(pc) =	sbr.ind lr, $3  }
0x3a: {  	_ = 	snop  }
0x3b: {  	_ = 	snop  }
0x3c: {  	p2 =	seq.s32 s10, $0x1;
	s10 =	sld [smem:$0x3FAA]  }
0x3d: {  	_ =	shalt  }
0x3e: {  	_ =	shalt  }
0x3f: {  	_ =	shalt  }
0x40: {  	_ =	shalt  }
0x41: {  	_ =	shalt  }
0x42: {  	_ =	shalt  }
0x43: {  	_ =	shalt  }
0x44: {  	_ =	shalt  }
0x45: {  	_ =	shalt  }
0x46: {  	_ =	shalt  }
0x47: {  	_ =	shalt  }
0x48: {  	_ =	shalt  }
0x49: {  	_ =	shalt  }
0x4a: {  	_ =	shalt  }
0x4b: {  	_ =	shalt  }
0x4c: {  	_ =	shalt  }
0x4d: {  	_ =	shalt  }
0x4e: {  	_ =	shalt  }
0x4f: {  	_ =	shalt  }
0x50: {  	_ =	shalt  }
0x51: {  	_ =	shalt  }
0x52: {  	_ =	shalt  }
0x53: {  	_ =	shalt  }
0x54: {  	_ =	shalt  }
0x55: {  	_ =	shalt  }
0x56: {  	_ =	shalt  }
0x57: {  	_ =	shalt  }
0x58: {  	_ =	shalt  }
0x59: {  	_ =	shalt  }
0x5a: {  	_ =	shalt  }
0x5b: {  	_ =	shalt  }
0x5c: {  	_ =	shalt  }
0x5d: {  	_ =	shalt  }
0x5e: {  	_ =	shalt  }
0x5f: {  	_ =	shalt  }
0x60: {  	_ =	shalt  }
0x61: {  	_ =	shalt  }
0x62: {  	_ =	shalt  }
0x63: {  	_ =	shalt  }
0x64: {  	_ =	shalt  }
0x65: {  	_ =	shalt  }
0x66: {  	_ =	shalt  }
0x67: {  	_ =	shalt  }
0x68: {  	_ =	shalt  }
0x69: {  	_ =	shalt  }
0x6a: {  	_ =	shalt  }
0x6b: {  	_ =	shalt  }
0x6c: {  	_ =	shalt  }
0x6d: {  	_ =	shalt  }
0x6e: {  	_ =	shalt  }
0x6f: {  	_ =	shalt  }
0x70: {  	_ =	shalt  }
0x71: {  	_ =	shalt  }
0x72: {  	_ =	shalt  }
0x73: {  	_ =	shalt  }
0x74: {  	_ =	shalt  }
0x75: {  	_ =	shalt  }
0x76: {  	_ =	shalt  }
0x77: {  	_ =	shalt  }
0x78: {  	_ =	shalt  }
0x79: {  	_ =	shalt  }
0x7a: {  	_ =	shalt  }
0x7b: {  	_ =	shalt  }
0x7c: {  	_ =	shalt  }
0x7d: {  	_ =	shalt  }
0x7e: {  	_ =	shalt  }
0x7f: {  	_ =	shalt  }
0x80: {  	_ =	shalt  }
0x81: {  	_ =	shalt  }
0x82: {  	_ =	shalt  }
0x83: {  	_ =	shalt  }
0x84: {  	_ =	shalt  }
0x85: {  	_ =	shalt  }
0x86: {  	_ =	shalt  }
0x87: {  	_ =	shalt  }
.Lfunc_end0:
.L_simem_size_0:
called_computation_lowered:
.L_overlay_start_0:
0x88: {  	s2 =	sld [smem:$0x3FD9]  }
0x89: {  	s3 =	sld [smem:$0x3FFE];
	_ =	sdelay $0x1  }
0x8a: {  	s1 =	srdreg.scid  }
0x8b: {  	s0 =	sand.u32 $0x1, s1  }
0x8c: {  	s17 =	sshll.u32 s0, $0xA;
	s2 =	sadd.s32 s3, s2  }
0x8d: {  	s2 =	sadd.s32 s2, s17  }
0x8e: {  	[smem:$0x3FB6] =	sst s2  }
0x8f: {  	_ = 	snop  }
0x90: {  	s2 =	sld [smem:$0x3FD0];
	(tm) =	ssettm $0x1  }
0x91: {  	s18 =	sld [smem:$0x3FFB];
	_ =	sdelay $0x3  }
0x92: {  	_ =	strace s18  }
0x93: {  	s3 =	sld [smem:$0x3FFC];
	_ =	sdelay $0x3  }
0x94: {  	_ =	strace s3  }
0x95: {  	s3 =	sld [smem:$0x3FFD];
	_ =	sdelay $0x3  }
0x96: {  	_ =	strace s3  }
0x97: {  	_ =	strace $0x8FFFFFFF  }
0x98: {  	s19 =	sld [smem:$0x3FDB];
	_ =	sdelay $0x1  }
0x99: {  	s4 =	simm.s32 $_scs_section_size  }
0x9a: {  	s5 =	simm.s32 $_size__tile_overlayer_lowered;
	s6 =	simm.s32 $_tile_overlayer_lowered  }
0x9b: {  	s22 =	simm.s32 $0x1BFF;
	s21 =	sshll.u32 s6, $0x1;
	s3 =	sadd.s32 s4, s19  }
0x9c: {  	s7 =	simm.s32 $0x0;
	s20 =	sshll.u32 s5, $0x1;
	s5 =	sadd.s32 s21, s3  }
0x9d: {  	[timem:s7], [sflag:s22] =	dma.local [hbm:s5], s20  }
0x9e: {  	_ =	swait.ge [sflag:s22], s20  }
0x9f: {  	s4 =	ssub.s32 $0x0, s20;
	[sflag:s22] =	ssyncset.done $0x0  }
0xa0: {  	[sflag:s22] =	ssyncadd.s32 s4;
	_ =	sdelay $0x1  }
0xa1: {  	s23 =	simm.s32 $0x1B8B  }
0xa2: {  	_ =	swait.ge [sflag:s23], $0x1  }
0xa3: {  	[sflag:s23] =	ssyncset.done $0x0  }
0xa4: {  	s25 =	simm.s32 $0x1B8E;
	s24 =	sld [smem:$0x3FFE];
	[sflag:s23] =	ssyncadd.s32 $0xFFFFFFFF  }
0xa5: {  	s26 =	simm.s32 $execute0_lowered;
	[smem:$0x3FD2] =	sst s25  }
0xa6: {  	s5 =	sshll.u32 s26, $0x1;
	_ =	strace $0x80000046;
	[dreg:$0x1] =	wrdreg $0xFFFFFFFF  }
0xa7: {  	s28 =	simm.s32 $_size_execute0_lowered;
	s3 =	sadd.s32 s3, s5;
	[dreg:$0x0] =	wrdreg $0x0  }
0xa8: {  	s5 =	sshll.u32 s28, $0x1;
	[dreg:$0x2] =	wrdreg s3  }
0xa9: {  	[dreg:$0x3] =	wrdreg s5  }
0xaa: {  	[dreg:$0x4] =	wrdreg $0xC0  }
0xab: {  	_ =	task [dreg:s7], $0x5FFFF  }
0xac: {  	[dreg:$0x1] =	wrdreg $0xFFFFFFFF  }
0xad: {  	[dreg:$0x0] =	wrdreg $0x60  }
0xae: {  	[dreg:$0x2] =	wrdreg s24  }
0xaf: {  	[dreg:$0x3] =	wrdreg s2  }
0xb0: {  	[dreg:$0x4] =	wrdreg $0x9  }
0xb1: {  	_ =	task.clear_ibuf [dreg:s7], $0x5FFFF;
	_ =	strace $0x90000046  }
0xb2: {  	s29 =	simm.s32 $0x9;
	_ =	strace $0x80000048  }
0xb3: {  	_ =	swait.ge [sflag:s29], $0x1  }
0xb4: {  	[sflag:s29] =	ssyncadd.s32 $0xFFFFFFFF  }
0xb5: {  	_ =	strace $0x90000048  }
0xb6: {  	_ =	sfence  }
0xb7: {  	s30 =	sld [smem:$0x0];
	_ =	sdelay $0x2  }
0xb8: {  	s31 =	sshll.u32 s1, $0xD;
	s1 =	sshrl.u32 s1, $0x2  }
0xb9: {  	s3 =	sand.u32 $0x4000, s31;
	s1 =	sadd.s32 s1, s30  }
0xba: {  	s0 =	sor.u32 s3, s0;
	s1 =	sshll.u32 s1, $0x11  }
0xbb: {  	s0 =	sor.u32 s1, s0  }
0xbc: {  	s0 =	sadd.s32 $0x8F2B, s0  }
0xbd: {  	[sflag:s0] =	ssyncadd.remote.s32 $0x1  }
0xbe: {  	_ =	sfence.sel $0xFFFF  }
0xbf: {  	[dreg:$0x0] =	wrdreg $0xFFFFFFFF;
	(pc) =	sbr.abs _section_cstart, $3  }
0xc0: {  	[dreg:$0x1] =	wrdreg $0xFFFFFFFF  }
0xc1: {  	_ =	task.clear_ibuf [dreg:s7], $0x2FFFF;
	_ =	strace $0x9FFFFFFF  }
0xc2: {  	(tm) =	ssettm $0x7FFFFFFF  }
0xc3: {  	_ =	shalt  }
tec
execute0_lowered:
.L_overlay_start_1:
0x0: {  	(tag) =	ssettag $0x1  }
0x1: {  	s0 =	rddreg [dreg:$0x0]  }
0x2: {  	s1 =	rddreg [dreg:$0x1]  }
0x3: {  	s7 =	stileid.u32;
	s2 =	srdreg.scid;
	s11 =	simm.s32 $0x2800  }
0x4: {  	s12 =	simm.s32 $0x3000;
	s14 =	simm.s32 $0x3800;
	s15 =	simm.s32 $0x4000  }
0x5: {  	s16 =	simm.s32 $0x4800;
	s4 =	sand.u32 $0x1, s2;
	s2 =	simm.s32 $0x0  }
0x6: {  	s18 =	simm.s32 $0x5000;
	s19 =	simm.s32 $0x5800;
	[smem:$0x7FF] =	sst s2  }
0x7: {  	s20 =	simm.s32 $0x6000;
	_ =	strace $0x80000047;
	[dreg:$0x4] =	wrdreg s11  }
0x8: {  	s21 =	simm.s32 $0x6800;
	s22 =	simm.s32 $0x7000;
	[dreg:$0x5] =	wrdreg s12  }
0x9: {  	s24 =	simm.s32 $0x7800;
	s25 =	simm.s32 $0x8000;
	[dreg:$0x6] =	wrdreg s14  }
0xa: {  	s26 =	simm.s32 $0x8800;
	s8 =	simm.s32 $0x9000;
	[dreg:$0x7] =	wrdreg s15  }
0xb: {  	s9 =	simm.s32 $0x9800;
	s10 =	simm.s32 $0xA000;
	[dreg:$0x8] =	wrdreg s16  }
0xc: {  	s28 =	simm.s32 $0x2;
	s29 =	simm.s32 $0x3;
	[dreg:$0x9] =	wrdreg s18  }
0xd: {  	s30 =	simm.s32 $0x4;
	s31 =	simm.s32 $0x0;
	[dreg:$0xa] =	wrdreg s19  }
0xe: {  	s3 =	sshll.u32 s7, $0x13;
	s17 =	sshll.u32 s7, $0xE;
	[dreg:$0xb] =	wrdreg s20  }
0xf: {  	s7 =	simm.s32 $0x2000;
	s3 =	sadd.s32 s3, s0;
	[dreg:$0xc] =	wrdreg s21  }
0x10: {  	s5 =	sshll.u32 s4, $0x12;
	s13 =	ssub.s32 $0x2, s4;
	[dreg:$0xd] =	wrdreg s22  }
0x11: {  	s4 =	sshll.u32 s4, $0xD;
	s3 =	sadd.s32 s5, s3;
	[dreg:$0xe] =	wrdreg s24  }
0x12: {  	s6 =	sshrl.u32 s13, $0x1;
	s4 =	sor.u32 s4, s17;
	[dreg:$0xf] =	wrdreg s25  }
0x13: {  	[dreg:$0x10] =	wrdreg s26;
	s11 =	simm.s32 $0xA800;
	s12 =	simm.s32 $0xB000  }
0x14: {  	s14 =	simm.s32 $0xC000;
	s15 =	simm.s32 $0xC800;
	s16 =	simm.s32 $0xD000  }
0x15: {  	s17 =	simm.s32 $0xD800;
	s18 =	simm.s32 $0xE000;
	s19 =	simm.s32 $0xE800  }
0x16: {  	s20 =	simm.s32 $0xF000;
	s21 =	simm.s32 $0xF800;
	s22 =	simm.s32 $0x10000  }
0x17: {  	s24 =	simm.s32 $0x11000;
	s25 =	simm.s32 $0x11800;
	s26 =	simm.s32 $0x1  }
0x18: {  	s3 =	sadd.s32 $0x82E00, s3;
	s5 =	ssub.s32 s13, s6;
	s4 =	sshrl.u32 s4, $0x3  }
0x19: {  	v2 =	vlaneseq.u32;
	s6 =	simm.s32 $0x5;
	[dreg:$0x3] =	wrdreg s3;
	s1 =	sadd.s32 s1, s4  }
0x1a: {  	vm0 =	vmmov $0xffff;
	v1 =	vshrl.u32 v2, $0x3;
	s13 =	simm.s32 $0xB800;
	s23 =	smax.u32 s5, $0x1;
	[dreg:$0x11] =	wrdreg s1  }
0x1b: {  	v0 =	vand.u32 $0x7, v2;
	v2 =	vor.u32 $0x8, v2;
	v1 =	vmul.u32 $0x8, v1;
	s3 =	sadd.s32 $0x2E00, s0;
	[dreg:$0x12] =	wrdreg s23;
	s23 =	simm.s32 $0x10800  }
.LBB2_1:
0x1c: {  	s0 =	rddreg [dreg:$0x11]  }
0x1d: {  	[tilespmem:s2], [sflag:$0x5] =	stream.linear.gather [hbm4b:s0+s2], $0x2000, $0x38;
	[tilespmem:$0x12000] =	vst v63  }
0x1e: {  	_ =	swait.ge [sflag:s6], $0x2000  }
0x1f: {  	[sflag:s6] =	ssyncset.done $0x0  }
0x20: {  	s1 =	simm.s32 $0x0;
	s0 =	simm.s32 $0x80;
	[sflag:s6] =	ssyncadd.s32 $0xFFFFE000  }
.LBB2_2:
0x21: {  	v3 =	vld [tilespmem:s0+$0xFFFFFF80];
	_ =	sdelay $0x4  }
0x22: {  	v4 =	vshll.u32 v3, $0x1  }
0x23: {  	v3 =	vand.u32 $0x7, v3;
	v4 =	vand.u32 $0xFFFFFFF0, v4  }
0x24: {  	v3 =	vor.u32 v3, v4  }
0x25: {  	v4 =	vperm.xlane v3, v0;
	_ =	sdelay $0x1  }
0x26: {  	v3 =	vperm.xlane v3, v2;
	v4 =	vadd.s32 v1, v4;
	_ =	sdelay $0x1  }
0x27: {  	v3 =	vadd.s32 v1, v3;
	_ =	sdelay $0x2  }
0x28: {  	[tilespmem:s7], [sflag:$0x1] =	stream.indirect_vreg.gather [hbm4b:s3+s2], $0x80, v4, vm0, $0xb8;
	[tilespmem:$0x12000] =	vst v63  }
0x29: {  	s4 =	rddreg [dreg:$0x4]  }
0x2a: {  	[tilespmem:s4], [sflag:$0x1] =	stream.indirect_vreg.gather [hbm4b:s3+s2], $0x80, v3, vm0, $0xb8;
	[tilespmem:$0x12000] =	vst v63  }
0x2b: {  	v3 =	vld [tilespmem:s0+$0xFFFFFF90];
	_ =	sdelay $0x4  }
0x2c: {  	v49 =	vshll.u32 v3, $0x1  }
0x2d: {  	v3 =	vand.u32 $0x7, v3;
	v4 =	vand.u32 $0xFFFFFFF0, v49  }
0x2e: {  	v3 =	vor.u32 v3, v4  }
0x2f: {  	v4 =	vperm.xlane v3, v0;
	_ =	sdelay $0x1  }
0x30: {  	v3 =	vperm.xlane v3, v2;
	v4 =	vadd.s32 v1, v4;
	_ =	sdelay $0x1  }
0x31: {  	v3 =	vadd.s32 v1, v3;
	_ =	sdelay $0x1  }
0x32: {  	s4 =	rddreg [dreg:$0x5]  }
0x33: {  	[tilespmem:s4], [sflag:$0x1] =	stream.indirect_vreg.gather [hbm4b:s3+s2], $0x80, v4, vm0, $0xb8;
	[tilespmem:$0x12000] =	vst v63  }
0x34: {  	s5 =	rddreg [dreg:$0x6]  }
0x35: {  	[tilespmem:s5], [sflag:$0x1] =	stream.indirect_vreg.gather [hbm4b:s3+s2], $0x80, v3, vm0, $0xb8;
	[tilespmem:$0x12000] =	vst v63  }
0x36: {  	v3 =	vld [tilespmem:s0+$0xFFFFFFA0];
	_ =	sdelay $0x4  }
0x37: {  	v50 =	vshll.u32 v3, $0x1  }
0x38: {  	v3 =	vand.u32 $0x7, v3;
	v4 =	vand.u32 $0xFFFFFFF0, v50  }
0x39: {  	v3 =	vor.u32 v3, v4  }
0x3a: {  	v4 =	vperm.xlane v3, v0;
	_ =	sdelay $0x1  }
0x3b: {  	v3 =	vperm.xlane v3, v2;
	v4 =	vadd.s32 v1, v4;
	_ =	sdelay $0x1  }
0x3c: {  	v3 =	vadd.s32 v1, v3;
	_ =	sdelay $0x1  }
0x3d: {  	s4 =	rddreg [dreg:$0x7]  }
0x3e: {  	[tilespmem:s4], [sflag:$0x1] =	stream.indirect_vreg.gather [hbm4b:s3+s2], $0x80, v4, vm0, $0xb8;
	[tilespmem:$0x12000] =	vst v63  }
0x3f: {  	s5 =	rddreg [dreg:$0x8]  }
0x40: {  	[tilespmem:s5], [sflag:$0x1] =	stream.indirect_vreg.gather [hbm4b:s3+s2], $0x80, v3, vm0, $0xb8;
	[tilespmem:$0x12000] =	vst v63  }
0x41: {  	v3 =	vld [tilespmem:s0+$0xFFFFFFB0];
	_ =	sdelay $0x4  }
0x42: {  	v51 =	vshll.u32 v3, $0x1  }
0x43: {  	v3 =	vand.u32 $0x7, v3;
	v4 =	vand.u32 $0xFFFFFFF0, v51  }
0x44: {  	v3 =	vor.u32 v3, v4  }
0x45: {  	v4 =	vperm.xlane v3, v0;
	_ =	sdelay $0x1  }
0x46: {  	v3 =	vperm.xlane v3, v2;
	v4 =	vadd.s32 v1, v4;
	_ =	sdelay $0x1  }
0x47: {  	v3 =	vadd.s32 v1, v3;
	_ =	sdelay $0x1  }
0x48: {  	s4 =	rddreg [dreg:$0x9]  }
0x49: {  	[tilespmem:s4], [sflag:$0x1] =	stream.indirect_vreg.gather [hbm4b:s3+s2], $0x80, v4, vm0, $0xb8;
	[tilespmem:$0x12000] =	vst v63  }
0x4a: {  	s5 =	rddreg [dreg:$0xa]  }
0x4b: {  	[tilespmem:s5], [sflag:$0x1] =	stream.indirect_vreg.gather [hbm4b:s3+s2], $0x80, v3, vm0, $0xb8;
	[tilespmem:$0x12000] =	vst v63  }
0x4c: {  	v3 =	vld [tilespmem:s0+$0xFFFFFFC0];
	_ =	sdelay $0x4  }
0x4d: {  	v52 =	vshll.u32 v3, $0x1  }
0x4e: {  	v3 =	vand.u32 $0x7, v3;
	v4 =	vand.u32 $0xFFFFFFF0, v52  }
0x4f: {  	v3 =	vor.u32 v3, v4  }
0x50: {  	v4 =	vperm.xlane v3, v0;
	_ =	sdelay $0x1  }
0x51: {  	v3 =	vperm.xlane v3, v2;
	v4 =	vadd.s32 v1, v4;
	_ =	sdelay $0x1  }
0x52: {  	v3 =	vadd.s32 v1, v3;
	_ =	sdelay $0x1  }
0x53: {  	s4 =	rddreg [dreg:$0xb]  }
0x54: {  	[tilespmem:s4], [sflag:$0x1] =	stream.indirect_vreg.gather [hbm4b:s3+s2], $0x80, v4, vm0, $0xb8;
	[tilespmem:$0x12000] =	vst v63  }
0x55: {  	s5 =	rddreg [dreg:$0xc]  }
0x56: {  	[tilespmem:s5], [sflag:$0x1] =	stream.indirect_vreg.gather [hbm4b:s3+s2], $0x80, v3, vm0, $0xb8;
	[tilespmem:$0x12000] =	vst v63  }
0x57: {  	v3 =	vld [tilespmem:s0+$0xFFFFFFD0];
	_ =	sdelay $0x4  }
0x58: {  	v53 =	vshll.u32 v3, $0x1  }
0x59: {  	v3 =	vand.u32 $0x7, v3;
	v4 =	vand.u32 $0xFFFFFFF0, v53  }
0x5a: {  	v3 =	vor.u32 v3, v4  }
0x5b: {  	v4 =	vperm.xlane v3, v0;
	_ =	sdelay $0x1  }
0x5c: {  	v3 =	vperm.xlane v3, v2;
	v4 =	vadd.s32 v1, v4;
	_ =	sdelay $0x1  }
0x5d: {  	v3 =	vadd.s32 v1, v3;
	_ =	sdelay $0x1  }
0x5e: {  	s4 =	rddreg [dreg:$0xd]  }
0x5f: {  	[tilespmem:s4], [sflag:$0x1] =	stream.indirect_vreg.gather [hbm4b:s3+s2], $0x80, v4, vm0, $0xb8;
	[tilespmem:$0x12000] =	vst v63  }
0x60: {  	s5 =	rddreg [dreg:$0xe]  }
0x61: {  	[tilespmem:s5], [sflag:$0x1] =	stream.indirect_vreg.gather [hbm4b:s3+s2], $0x80, v3, vm0, $0xb8;
	[tilespmem:$0x12000] =	vst v63  }
0x62: {  	v3 =	vld [tilespmem:s0+$0xFFFFFFE0];
	_ =	sdelay $0x4  }
0x63: {  	v54 =	vshll.u32 v3, $0x1  }
0x64: {  	v3 =	vand.u32 $0x7, v3;
	v4 =	vand.u32 $0xFFFFFFF0, v54  }
0x65: {  	v3 =	vor.u32 v3, v4  }
0x66: {  	v4 =	vperm.xlane v3, v0;
	_ =	sdelay $0x1  }
0x67: {  	v3 =	vperm.xlane v3, v2;
	v4 =	vadd.s32 v1, v4;
	_ =	sdelay $0x1  }
0x68: {  	v3 =	vadd.s32 v1, v3;
	_ =	sdelay $0x1  }
0x69: {  	s4 =	rddreg [dreg:$0xf]  }
0x6a: {  	[tilespmem:s4], [sflag:$0x1] =	stream.indirect_vreg.gather [hbm4b:s3+s2], $0x80, v4, vm0, $0xb8;
	[tilespmem:$0x12000] =	vst v63  }
0x6b: {  	s5 =	rddreg [dreg:$0x10]  }
0x6c: {  	[tilespmem:s5], [sflag:$0x1] =	stream.indirect_vreg.gather [hbm4b:s3+s2], $0x80, v3, vm0, $0xb8;
	[tilespmem:$0x12000] =	vst v63  }
0x6d: {  	v3 =	vld [tilespmem:s0+$0xFFFFFFF0];
	_ =	sdelay $0x4  }
0x6e: {  	v55 =	vshll.u32 v3, $0x1  }
0x6f: {  	v3 =	vand.u32 $0x7, v3;
	v4 =	vand.u32 $0xFFFFFFF0, v55  }
0x70: {  	v3 =	vor.u32 v3, v4  }
0x71: {  	v4 =	vperm.xlane v3, v0;
	_ =	sdelay $0x1  }
0x72: {  	v3 =	vperm.xlane v3, v2;
	v4 =	vadd.s32 v1, v4;
	_ =	sdelay $0x1  }
0x73: {  	v3 =	vadd.s32 v1, v3;
	_ =	sdelay $0x2  }
0x74: {  	[tilespmem:s8], [sflag:$0x1] =	stream.indirect_vreg.gather [hbm4b:s3+s2], $0x80, v4, vm0, $0xb8;
	[tilespmem:$0x12000] =	vst v63  }
0x75: {  	_ = 	snop  }
0x76: {  	[tilespmem:s9], [sflag:$0x1] =	stream.indirect_vreg.gather [hbm4b:s3+s2], $0x80, v3, vm0, $0xb8;
	[tilespmem:$0x12000] =	vst v63  }
0x77: {  	v3 =	vld [tilespmem:s0+$0x0];
	_ =	sdelay $0x4  }
0x78: {  	v56 =	vshll.u32 v3, $0x1  }
0x79: {  	v3 =	vand.u32 $0x7, v3;
	v4 =	vand.u32 $0xFFFFFFF0, v56  }
0x7a: {  	v3 =	vor.u32 v3, v4  }
0x7b: {  	v4 =	vperm.xlane v3, v0;
	_ =	sdelay $0x1  }
0x7c: {  	v3 =	vperm.xlane v3, v2;
	v4 =	vadd.s32 v1, v4;
	_ =	sdelay $0x1  }
0x7d: {  	v3 =	vadd.s32 v1, v3;
	_ =	sdelay $0x2  }
0x7e: {  	[tilespmem:s10], [sflag:$0x2] =	stream.indirect_vreg.gather [hbm4b:s3+s2], $0x80, v4, vm0, $0xb8;
	[tilespmem:$0x12000] =	vst v63  }
0x7f: {  	_ = 	snop  }
0x80: {  	[tilespmem:s11], [sflag:$0x2] =	stream.indirect_vreg.gather [hbm4b:s3+s2], $0x80, v3, vm0, $0xb8;
	[tilespmem:$0x12000] =	vst v63  }
0x81: {  	v3 =	vld [tilespmem:s0+$0x10];
	_ =	sdelay $0x4  }
0x82: {  	v57 =	vshll.u32 v3, $0x1  }
0x83: {  	v3 =	vand.u32 $0x7, v3;
	v4 =	vand.u32 $0xFFFFFFF0, v57  }
0x84: {  	v3 =	vor.u32 v3, v4  }
0x85: {  	v4 =	vperm.xlane v3, v0;
	_ =	sdelay $0x1  }
0x86: {  	v3 =	vperm.xlane v3, v2;
	v4 =	vadd.s32 v1, v4;
	_ =	sdelay $0x1  }
0x87: {  	v3 =	vadd.s32 v1, v3;
	_ =	sdelay $0x2  }
0x88: {  	[tilespmem:s12], [sflag:$0x2] =	stream.indirect_vreg.gather [hbm4b:s3+s2], $0x80, v4, vm0, $0xb8;
	[tilespmem:$0x12000] =	vst v63  }
0x89: {  	_ = 	snop  }
0x8a: {  	[tilespmem:s13], [sflag:$0x2] =	stream.indirect_vreg.gather [hbm4b:s3+s2], $0x80, v3, vm0, $0xb8;
	[tilespmem:$0x12000] =	vst v63  }
0x8b: {  	v3 =	vld [tilespmem:s0+$0x20];
	_ =	sdelay $0x4  }
0x8c: {  	v58 =	vshll.u32 v3, $0x1  }
0x8d: {  	v3 =	vand.u32 $0x7, v3;
	v4 =	vand.u32 $0xFFFFFFF0, v58  }
0x8e: {  	v3 =	vor.u32 v3, v4  }
0x8f: {  	v4 =	vperm.xlane v3, v0;
	_ =	sdelay $0x1  }
0x90: {  	v3 =	vperm.xlane v3, v2;
	v4 =	vadd.s32 v1, v4;
	_ =	sdelay $0x1  }
0x91: {  	v3 =	vadd.s32 v1, v3;
	_ =	sdelay $0x2  }
0x92: {  	[tilespmem:s14], [sflag:$0x2] =	stream.indirect_vreg.gather [hbm4b:s3+s2], $0x80, v4, vm0, $0xb8;
	[tilespmem:$0x12000] =	vst v63  }
0x93: {  	_ = 	snop  }
0x94: {  	[tilespmem:s15], [sflag:$0x2] =	stream.indirect_vreg.gather [hbm4b:s3+s2], $0x80, v3, vm0, $0xb8;
	[tilespmem:$0x12000] =	vst v63  }
0x95: {  	v3 =	vld [tilespmem:s0+$0x30];
	_ =	sdelay $0x4  }
0x96: {  	v59 =	vshll.u32 v3, $0x1  }
0x97: {  	v3 =	vand.u32 $0x7, v3;
	v4 =	vand.u32 $0xFFFFFFF0, v59  }
0x98: {  	v3 =	vor.u32 v3, v4  }
0x99: {  	v4 =	vperm.xlane v3, v0;
	_ =	sdelay $0x1  }
0x9a: {  	v3 =	vperm.xlane v3, v2;
	v4 =	vadd.s32 v1, v4;
	_ =	sdelay $0x1  }
0x9b: {  	v3 =	vadd.s32 v1, v3;
	_ =	sdelay $0x2  }
0x9c: {  	[tilespmem:s16], [sflag:$0x2] =	stream.indirect_vreg.gather [hbm4b:s3+s2], $0x80, v4, vm0, $0xb8;
	[tilespmem:$0x12000] =	vst v63  }
0x9d: {  	_ = 	snop  }
0x9e: {  	[tilespmem:s17], [sflag:$0x2] =	stream.indirect_vreg.gather [hbm4b:s3+s2], $0x80, v3, vm0, $0xb8;
	[tilespmem:$0x12000] =	vst v63  }
0x9f: {  	v3 =	vld [tilespmem:s0+$0x40];
	_ =	sdelay $0x4  }
0xa0: {  	v60 =	vshll.u32 v3, $0x1  }
0xa1: {  	v3 =	vand.u32 $0x7, v3;
	v4 =	vand.u32 $0xFFFFFFF0, v60  }
0xa2: {  	v3 =	vor.u32 v3, v4  }
0xa3: {  	v4 =	vperm.xlane v3, v0;
	_ =	sdelay $0x1  }
0xa4: {  	v3 =	vperm.xlane v3, v2;
	v4 =	vadd.s32 v1, v4;
	_ =	sdelay $0x1  }
0xa5: {  	v3 =	vadd.s32 v1, v3;
	_ =	sdelay $0x2  }
0xa6: {  	[tilespmem:s18], [sflag:$0x2] =	stream.indirect_vreg.gather [hbm4b:s3+s2], $0x80, v4, vm0, $0xb8;
	[tilespmem:$0x12000] =	vst v63  }
0xa7: {  	_ = 	snop  }
0xa8: {  	[tilespmem:s19], [sflag:$0x2] =	stream.indirect_vreg.gather [hbm4b:s3+s2], $0x80, v3, vm0, $0xb8;
	[tilespmem:$0x12000] =	vst v63  }
0xa9: {  	v3 =	vld [tilespmem:s0+$0x50];
	_ =	sdelay $0x4  }
0xaa: {  	v61 =	vshll.u32 v3, $0x1  }
0xab: {  	v3 =	vand.u32 $0x7, v3;
	v4 =	vand.u32 $0xFFFFFFF0, v61  }
0xac: {  	v3 =	vor.u32 v3, v4  }
0xad: {  	v4 =	vperm.xlane v3, v0;
	_ =	sdelay $0x1  }
0xae: {  	v3 =	vperm.xlane v3, v2;
	v4 =	vadd.s32 v1, v4;
	_ =	sdelay $0x1  }
0xaf: {  	v3 =	vadd.s32 v1, v3;
	_ =	sdelay $0x2  }
0xb0: {  	[tilespmem:s20], [sflag:$0x2] =	stream.indirect_vreg.gather [hbm4b:s3+s2], $0x80, v4, vm0, $0xb8;
	[tilespmem:$0x12000] =	vst v63  }
0xb1: {  	_ = 	snop  }
0xb2: {  	[tilespmem:s21], [sflag:$0x2] =	stream.indirect_vreg.gather [hbm4b:s3+s2], $0x80, v3, vm0, $0xb8;
	[tilespmem:$0x12000] =	vst v63  }
0xb3: {  	v3 =	vld [tilespmem:s0+$0x60];
	_ =	sdelay $0x4  }
0xb4: {  	v62 =	vshll.u32 v3, $0x1  }
0xb5: {  	v3 =	vand.u32 $0x7, v3;
	v4 =	vand.u32 $0xFFFFFFF0, v62  }
0xb6: {  	v3 =	vor.u32 v3, v4  }
0xb7: {  	v4 =	vperm.xlane v3, v0;
	_ =	sdelay $0x1  }
0xb8: {  	v3 =	vperm.xlane v3, v2;
	v4 =	vadd.s32 v1, v4;
	_ =	sdelay $0x1  }
0xb9: {  	v3 =	vadd.s32 v1, v3;
	_ =	sdelay $0x2  }
0xba: {  	[tilespmem:s22], [sflag:$0x2] =	stream.indirect_vreg.gather [hbm4b:s3+s2], $0x80, v4, vm0, $0xb8;
	[tilespmem:$0x12000] =	vst v63  }
0xbb: {  	_ = 	snop  }
0xbc: {  	[tilespmem:s23], [sflag:$0x2] =	stream.indirect_vreg.gather [hbm4b:s3+s2], $0x80, v3, vm0, $0xb8;
	[tilespmem:$0x12000] =	vst v63  }
0xbd: {  	v3 =	vld [tilespmem:s0+$0x70];
	_ =	sdelay $0x4  }
0xbe: {  	v63 =	vshll.u32 v3, $0x1  }
0xbf: {  	v3 =	vand.u32 $0x7, v3;
	v4 =	vand.u32 $0xFFFFFFF0, v63  }
0xc0: {  	v3 =	vor.u32 v3, v4  }
0xc1: {  	v4 =	vperm.xlane v3, v0;
	_ =	sdelay $0x1  }
0xc2: {  	v3 =	vperm.xlane v3, v2;
	v4 =	vadd.s32 v1, v4;
	_ =	sdelay $0x1  }
0xc3: {  	v3 =	vadd.s32 v1, v3;
	_ =	sdelay $0x2  }
0xc4: {  	[tilespmem:s24], [sflag:$0x2] =	stream.indirect_vreg.gather [hbm4b:s3+s2], $0x80, v4, vm0, $0xb8;
	[tilespmem:$0x12000] =	vst v63  }
0xc5: {  	_ = 	snop  }
0xc6: {  	[tilespmem:s25], [sflag:$0x2] =	stream.indirect_vreg.gather [hbm4b:s3+s2], $0x80, v3, vm0, $0xb8;
	[tilespmem:$0x12000] =	vst v63  }
0xc7: {  	_ =	swait.ge [sflag:s26], $0x8000  }
0xc8: {  	s5 =	rddreg [dreg:$0x3];
	[sflag:s26] =	ssyncset.done $0x0  }
0xc9: {  	[sflag:s26] =	ssyncadd.s32 $0xFFFF8000;
	s4 =	sadd.s32 s1, s5  }
0xca: {  	[hbm4b:s4+s2] =	stream.linear.scatter [tilespmem:s7], [sflag:$0x3], $0x8000, $0x38;
	[tilespmem:$0x12000] =	vst v63  }
0xcb: {  	_ =	swait.ge [sflag:s28], $0x8000  }
0xcc: {  	[sflag:s28] =	ssyncset.done $0x0  }
0xcd: {  	s4 =	sadd.s32 $0x1000, s4;
	[sflag:s28] =	ssyncadd.s32 $0xFFFF8000  }
0xce: {  	[hbm4b:s4+s2] =	stream.linear.scatter [tilespmem:s10], [sflag:$0x4], $0x8000, $0x38;
	[tilespmem:$0x12000] =	vst v63  }
0xcf: {  	p0 =	sne.s32 s1, $0x3E000;
	_ =	swait.ge [sflag:s29], $0x8000  }
.Ltmp0:
0xd0: {  	[sflag:s29] =	ssyncset.done $0x0;
	(pc) =	sbr.rel @p0 .LBB2_2-.Ltmp0, $4  }
0xd1: {  	[sflag:s29] =	ssyncadd.s32 $0xFFFF8000  }
0xd2: {  	_ =	swait.ge [sflag:s30], $0x8000  }
0xd3: {  	[sflag:s30] =	ssyncset.done $0x0  }
0xd4: {  	s0 =	sadd.s32 $0x100, s0;
	s1 =	sadd.s32 $0x2000, s1;
	[sflag:s30] =	ssyncadd.s32 $0xFFFF8000  }
0xd5: {  	s31 =	sadd.s32 $0x1, s31;
	s0 =	rddreg [dreg:$0x12]  }
0xd6: {  	p0 =	sne.s32 s31, s0  }
.Ltmp1:
0xd7: {  	_ = 	snop;
	(pc) =	sbr.rel @p0 .LBB2_1-.Ltmp1, $1  }
0xd8: {  	_ =	sdelay $0x3  }
0xd9: {  	_ =	sfence.sel $0x180000  }
0xda: {  	[bflag:$0x0] =	sbarrier.arrive $0xFFFF  }
0xdb: {  	_ =	strace $0x90000047  }
0xdc: {  	s0 =	stileid.u32;
	[bflag:$0x2] =	sbarrier.arrive $0xFFFF  }
0xdd: {  	p0 =	sne.s32 s0, $0x0;
	s0 =	rddreg [dreg:$0x2]  }
0xde: {  	s0 =	sadd.s32 @!p0 $0x100000, s0  }
0xdf: {  	[sflag:s0] =	ssyncadd.tile.s32 @!p0 $0x1;
	_ =	shalt  }
.Lfunc_end2:
_tile_overlayer_lowered:
.L_overlay_start_2:
0xe0: {  	(tag) =	ssettag $0x2  }
0xe1: {  	s0 =	rddreg [dreg:$0x0];
	s2 =	stileid.u32  }
0xe2: {  	s1 =	rddreg [dreg:$0x1];
	p0 =	sne.s32 s2, $0x0  }
0xe3: {  	s3 =	rddreg [dreg:$0x2];
	[bflag:$0x3] =	sbarrier.arrive $0xFFFF;
	s2 =	simm.s32 @!p0 $0x1C05  }
0xe4: {  	[timem:s3], [sflag:s2] =	dma.local @!p0 [hbm:s0], s1  }
0xe5: {  	s0 =	simm.s32 @!p0 $0x5  }
0xe6: {  	_ =	swait.ge @!p0 [sflag:s0], s1  }
0xe7: {  	s1 =	ssub.s32 @!p0 $0x0, s1;
	[sflag:s0] =	ssyncset.done @!p0 $0x0  }
0xe8: {  	[sflag:s0] =	ssyncadd.s32 @!p0 s1  }
0xe9: {  	[bflag:$0x3] =	sbarrier.arrive $0xFFFF  }
0xea: {  	_ =	shalt  }

</sc_bundles>
